<compile_context>
chip_gen: v7x
topology: tpu7x:2x2x1
jax: 0.10.2.dev20260603
libtpu: 0.0.44.dev20260713+nightly
codegen_flags: <defaults>
</compile_context>

<pallas_src>
import functools

import jax
import jax.numpy as jnp
from jax import lax
from jax.experimental import pallas as pl
from jax.experimental.pallas import tpu as pltpu
from jax.experimental.pallas import tpu_sc as plsc

N = 10000
E = 320000
D_IN = 128
D_HID = 256
D_OUT = 128

NC = 2
NS = 16
NW = NC * NS
EW = E // NW
CH = 125
NCHUNK = EW // CH
STRIPE = 624
ZROWS = 640

_MESH = plsc.VectorSubcoreMesh(core_axis_name="c", subcore_axis_name="s")



@functools.partial(
    pl.kernel,
    out_type=jax.ShapeDtypeStruct((NC * N, 128), jnp.float32),
    mesh=_MESH,
    scratch_types=(
        pltpu.VMEM((NCHUNK, CH), jnp.int32),
        pltpu.VMEM((CH, 128), jnp.float32),
        pltpu.VMEM_SHARED((N, 128), jnp.float32),
    ),
)
def _sc_degrees(idx_hbm, ones_hbm, zeros_hbm, deg_out, idx_v, ones_v, acc):
    cid = lax.axis_index("c")
    sid = lax.axis_index("s")
    wid = sid * NC + cid

    pltpu.sync_copy(zeros_hbm, acc.at[pl.ds(sid * STRIPE, ZROWS)])
    pltpu.sync_copy(idx_hbm.at[pl.ds(wid * NCHUNK, NCHUNK)], idx_v)
    pltpu.sync_copy(ones_hbm, ones_v)
    plsc.subcore_barrier()

    def body(j, _):
        pltpu.sync_copy(ones_v, acc.at[idx_v.at[j]], add=True)
        return _

    lax.fori_loop(0, NCHUNK, body, None)
    plsc.subcore_barrier()

    pltpu.sync_copy(acc.at[pl.ds(sid * STRIPE, ZROWS)],
                    deg_out.at[pl.ds(cid * N + sid * STRIPE, ZROWS)])


@functools.partial(
    pl.kernel,
    out_type=jax.ShapeDtypeStruct((NC * N, 128), jnp.float32),
    mesh=_MESH,
    scratch_types=(
        pltpu.VMEM((NCHUNK, CH), jnp.int32),
        pltpu.VMEM((NCHUNK, CH), jnp.int32),
        pltpu.VMEM((CH, 128), jnp.float32),
        pltpu.VMEM_SHARED((N, 128), jnp.float32),
        pltpu.SemaphoreType.DMA,
    ),
)
def _sc_spmm(h_hbm, src_hbm, dst_hbm, zeros_hbm, out_hbm,
             src_v, dst_v, rows_v, acc, sem):
    cid = lax.axis_index("c")
    sid = lax.axis_index("s")
    wid = sid * NC + cid

    pltpu.sync_copy(zeros_hbm, acc.at[pl.ds(sid * STRIPE, ZROWS)])
    pltpu.sync_copy(src_hbm.at[pl.ds(wid * NCHUNK, NCHUNK)], src_v)
    pltpu.sync_copy(dst_hbm.at[pl.ds(wid * NCHUNK, NCHUNK)], dst_v)
    plsc.subcore_barrier()

    def body(j, _):
        pltpu.async_copy(h_hbm.at[src_v.at[j]], rows_v, sem).wait()
        pltpu.sync_copy(rows_v, acc.at[dst_v.at[j]], add=True)
        return _

    lax.fori_loop(0, NCHUNK, body, None)
    plsc.subcore_barrier()

    pltpu.sync_copy(acc.at[pl.ds(sid * STRIPE, ZROWS)],
                    out_hbm.at[pl.ds(cid * N + sid * STRIPE, ZROWS)])



_BLK = 1000


def _norms_body(ds0, ds1, dd0, dd1, feat, xs_o, ns_o, nd_o):
    ns = lax.rsqrt(jnp.maximum(ds0[...] + ds1[...], 1.0))
    nd = lax.rsqrt(jnp.maximum(dd0[...] + dd1[...], 1.0))
    ns_o[...] = ns
    nd_o[...] = nd
    xs_o[...] = feat[...] * ns[:, 0:1]


_NORMW = 128


def _mid_body(p0, p1, nd, ns, w1, b1, w2, o):
    agg = (p0[...] + p1[...]) * nd[:, 0:1]
    x1 = jnp.maximum(
        jnp.dot(agg, w1[...], preferred_element_type=jnp.float32)
        + b1[...][None, :], 0.0)
    o[...] = jnp.dot(x1, w2[...], preferred_element_type=jnp.float32) * ns[:, 0:1]


def _final_body(p0, p1, nd, b2, o):
    agg = (p0[...] + p1[...]) * nd[:, 0:1]
    o[...] = jnp.maximum(agg + b2[...][None, :], 0.0)


def _row_spec(width):
    return pl.BlockSpec((_BLK, width), lambda i: (i, 0))


def _full_spec(shape):
    nd = len(shape)
    return pl.BlockSpec(shape, lambda i: (0,) * nd)


_tc_norms = pl.pallas_call(
    _norms_body,
    grid=(N // _BLK,),
    in_specs=[_row_spec(_NORMW), _row_spec(_NORMW), _row_spec(_NORMW),
              _row_spec(_NORMW), _row_spec(128)],
    out_specs=[_row_spec(128), _row_spec(_NORMW), _row_spec(_NORMW)],
    out_shape=(jax.ShapeDtypeStruct((N, 128), jnp.float32),
               jax.ShapeDtypeStruct((N, _NORMW), jnp.float32),
               jax.ShapeDtypeStruct((N, _NORMW), jnp.float32)),
)

_tc_mid = pl.pallas_call(
    _mid_body,
    grid=(N // _BLK,),
    in_specs=[_row_spec(128), _row_spec(128), _row_spec(_NORMW),
              _row_spec(_NORMW), _full_spec((D_IN, D_HID)),
              _full_spec((D_HID,)), _full_spec((D_HID, D_OUT))],
    out_specs=_row_spec(128),
    out_shape=jax.ShapeDtypeStruct((N, 128), jnp.float32),
)

_tc_final = pl.pallas_call(
    _final_body,
    grid=(N // _BLK,),
    in_specs=[_row_spec(128), _row_spec(128), _row_spec(_NORMW),
              _full_spec((D_OUT,))],
    out_specs=_row_spec(128),
    out_shape=jax.ShapeDtypeStruct((N, 128), jnp.float32),
)



def kernel(features, edge_index, W1, b1, W2, b2):
    src = edge_index[0].astype(jnp.int32).reshape(NW * NCHUNK, CH)
    dst = edge_index[1].astype(jnp.int32).reshape(NW * NCHUNK, CH)

    ones128 = jnp.ones((CH, 128), jnp.float32)
    zeros128 = jnp.zeros((ZROWS, 128), jnp.float32)

    degs = _sc_degrees(src, ones128, zeros128)
    degd = _sc_degrees(dst, ones128, zeros128)
    xs, ns16, nd16 = _tc_norms(degs[:N], degs[N:], degd[:N], degd[N:],
                               features)

    p1 = _sc_spmm(xs, src, dst, zeros128)
    h2s = _tc_mid(p1[:N], p1[N:], nd16, ns16, W1, b1, W2)

    p2 = _sc_spmm(h2s, src, dst, zeros128)
    return _tc_final(p2[:N], p2[N:], nd16, b2)

# --- scband reference (transcript-rebuilt; emitter-appended) ---
"""Pipeline reference for scband-gnnmodel-83580063580594 (READ-ONLY COPY).

The authoritative reference and input builder live on the scoring server;
editing this copy changes nothing except your own understanding.
"""

import jax, jax.numpy as jnp
import numpy as np

N_NODES = 10000
N_EDGES = 320000
D_IN = 128
D_HID = 256
D_OUT = 128


def setup_inputs(seed: int = 0) -> dict:
    key = jax.random.key(seed)
    k1, k2, k3, k4, k5, k6 = jax.random.split(key, 6)
    features = jax.random.normal(k1, (N_NODES, D_IN), dtype=jnp.float32)
    edge_index = jax.random.randint(k2, (2, N_EDGES), 0, N_NODES, dtype=jnp.int64)
    W1 = jax.random.normal(k3, (D_IN, D_HID), dtype=jnp.float32) * 0.05
    b1 = jnp.zeros((D_HID,), dtype=jnp.float32)
    W2 = jax.random.normal(k4, (D_HID, D_OUT), dtype=jnp.float32) * 0.05
    b2 = jnp.zeros((D_OUT,), dtype=jnp.float32)
    return {"features": features, "edge_index": edge_index, "W1": W1, "b1": b1, "W2": W2, "b2": b2}


def _graph_conv(x, W, b, src, dst, n_nodes):
    # DGL GraphConv with norm='both': D^{-1/2} A D^{-1/2} (X W) + b
    h = x @ W
    ones = jnp.ones((src.shape[0],), dtype=x.dtype)
    deg_out = jax.ops.segment_sum(ones, src, num_segments=n_nodes)
    deg_in = jax.ops.segment_sum(ones, dst, num_segments=n_nodes)
    norm_src = jax.lax.rsqrt(jnp.clip(deg_out, 1.0, None))
    norm_dst = jax.lax.rsqrt(jnp.clip(deg_in, 1.0, None))
    msg = h[src] * norm_src[src][:, None]
    agg = jax.ops.segment_sum(msg, dst, num_segments=n_nodes)
    return agg * norm_dst[:, None] + b[None, :]


def reference(features, edge_index, W1, b1, W2, b2):
    src = edge_index[0]
    dst = edge_index[1]
    x = jax.nn.relu(_graph_conv(features, W1, b1, src, dst, N_NODES))
    x = jax.nn.relu(_graph_conv(x, W2, b2, src, dst, N_NODES))
    return x

if __name__ == "__main__":
    import jax
    _d = setup_inputs()
    print(jax.jit(kernel)(*tuple(_d.values())))

</pallas_src>

<mosaic_0001>
#map = affine_map<(d0, d1) -> (0, 0)>
module attributes {stable_mosaic.version = 14 : i64} {
  func.func @_sc_degrees(%arg0: i32, %arg1: i32, %arg2: memref<2560x125xi32, #tpu.memory_space<hbm>>, %arg3: memref<125x128xf32, #tpu.memory_space<hbm>>, %arg4: memref<640x128xf32, #tpu.memory_space<hbm>>, %arg5: memref<20000x128xf32, #tpu.memory_space<hbm>>, %arg6: memref<80x125xi32, #tpu.memory_space<vmem>>, %arg7: memref<125x128xf32, #tpu.memory_space<vmem>>, %arg8: memref<10000x128xf32, #tpu.memory_space<vmem_shared>>) attributes {dimension_semantics = [#tpu.dimension_semantics<core_parallel>, #tpu.dimension_semantics<subcore_parallel>], iteration_bounds = array<i64: 2, 16>, scalar_prefetch = 0 : i64, scratch_operands = 3 : i64, tpu.core_type = #tpu.core_type<sc_vector_subcore>, window_params = [{transform_indices = #map}, {transform_indices = #map}, {transform_indices = #map}, {transform_indices = #map}]} {
    %mul3A = arith.constant 2 : i32
    %mul3A_0 = arith.muli %arg1, %mul3A : i32
    %add3A = arith.addi %mul3A_0, %arg0 : i32
    %mul3A_1 = arith.constant 624 : i32
    %mul3A_2 = arith.muli %arg1, %mul3A_1 : i32
    "tpu.region"() ({
      %run_scoped3A = tpu.sem_alloc : memref<!tpu.dma_semaphore, #tpu.memory_space<semaphore_mem>>
      %dma_start3A = arith.constant 0 : i32
      %dma_start3A_17 = tpu.memref_slice %arg8[%mul3A_2, %dma_start3A] : memref<10000x128xf32, #tpu.memory_space<vmem_shared>> -> memref<640x128xf32, #tpu.memory_space<vmem_shared>>
      tpu.enqueue_dma source(%arg4 : memref<640x128xf32, #tpu.memory_space<hbm>>) target(%dma_start3A_17 : memref<640x128xf32, #tpu.memory_space<vmem_shared>>) target_semaphore(%run_scoped3A : memref<!tpu.dma_semaphore, #tpu.memory_space<semaphore_mem>>)
      %dma_wait3A = arith.constant 0 : i32
      %dma_wait3A_18 = tpu.memref_slice %arg8[%mul3A_2, %dma_wait3A] : memref<10000x128xf32, #tpu.memory_space<vmem_shared>> -> memref<640x128xf32, #tpu.memory_space<vmem_shared>>
      tpu.wait_dma2 semaphore(%run_scoped3A : memref<!tpu.dma_semaphore, #tpu.memory_space<semaphore_mem>>) src(%arg4 : memref<640x128xf32, #tpu.memory_space<hbm>>) dst(%dma_wait3A_18 : memref<640x128xf32, #tpu.memory_space<vmem_shared>>)
      tpu.yield
    }) : () -> ()
    %mul3A_3 = arith.constant 80 : i32
    %mul3A_4 = arith.muli %add3A, %mul3A_3 : i32
    "tpu.region"() ({
      %run_scoped3A = tpu.sem_alloc : memref<!tpu.dma_semaphore, #tpu.memory_space<semaphore_mem>>
      %dma_start3A = arith.constant 0 : i32
      %dma_start3A_17 = tpu.memref_slice %arg2[%mul3A_4, %dma_start3A] : memref<2560x125xi32, #tpu.memory_space<hbm>> -> memref<80x125xi32, #tpu.memory_space<hbm>>
      %dma_start3A_18 = arith.constant 0 : i32
      %dma_start3A_19 = tpu.memref_slice %arg2[%mul3A_4, %dma_start3A_18] : memref<2560x125xi32, #tpu.memory_space<hbm>> -> memref<80x125xi32, #tpu.memory_space<hbm>>
      tpu.enqueue_dma source(%dma_start3A_19 : memref<80x125xi32, #tpu.memory_space<hbm>>) target(%arg6 : memref<80x125xi32, #tpu.memory_space<vmem>>) target_semaphore(%run_scoped3A : memref<!tpu.dma_semaphore, #tpu.memory_space<semaphore_mem>>)
      %dma_wait3A = arith.constant 0 : i32
      %dma_wait3A_20 = tpu.memref_slice %arg2[%mul3A_4, %dma_wait3A] : memref<2560x125xi32, #tpu.memory_space<hbm>> -> memref<80x125xi32, #tpu.memory_space<hbm>>
      %dma_wait3A_21 = arith.constant 0 : i32
      %dma_wait3A_22 = tpu.memref_slice %arg2[%mul3A_4, %dma_wait3A_21] : memref<2560x125xi32, #tpu.memory_space<hbm>> -> memref<80x125xi32, #tpu.memory_space<hbm>>
      tpu.wait_dma2 semaphore(%run_scoped3A : memref<!tpu.dma_semaphore, #tpu.memory_space<semaphore_mem>>) src(%dma_wait3A_22 : memref<80x125xi32, #tpu.memory_space<hbm>>) dst(%arg6 : memref<80x125xi32, #tpu.memory_space<vmem>>)
      tpu.yield
    }) : () -> ()
    "tpu.region"() ({
      %run_scoped3A = tpu.sem_alloc : memref<!tpu.dma_semaphore, #tpu.memory_space<semaphore_mem>>
      tpu.enqueue_dma source(%arg3 : memref<125x128xf32, #tpu.memory_space<hbm>>) target(%arg7 : memref<125x128xf32, #tpu.memory_space<vmem>>) target_semaphore(%run_scoped3A : memref<!tpu.dma_semaphore, #tpu.memory_space<semaphore_mem>>)
      tpu.wait_dma2 semaphore(%run_scoped3A : memref<!tpu.dma_semaphore, #tpu.memory_space<semaphore_mem>>) src(%arg3 : memref<125x128xf32, #tpu.memory_space<hbm>>) dst(%arg7 : memref<125x128xf32, #tpu.memory_space<vmem>>)
      tpu.yield
    }) : () -> ()
    %barrier3A = arith.constant 0 : index
    tpu.barrier barrier_id(%barrier3A)
    %scan3A = arith.constant 0 : i32
    %scan3A_5 = arith.constant 80 : i32
    %scan3A_6 = arith.addi %scan3A, %scan3A_5 : i32
    %scan3A_7 = arith.constant 1 : i32
    scf.for %scan3A_17 = %scan3A to %scan3A_6 step %scan3A_7  : i32 {
      "tpu.region"() ({
        %run_scoped3A = tpu.sem_alloc : memref<!tpu.dma_semaphore, #tpu.memory_space<semaphore_mem>>
        %dma_start3A = arith.constant 0 : i32
        %dma_start3A_18 = tpu.memref_slice %arg6[%scan3A_17, %dma_start3A] : memref<80x125xi32, #tpu.memory_space<vmem>> -> memref<1x125xi32, #tpu.memory_space<vmem>>
        %dma_start3A_19 = tpu.memref_squeeze %dma_start3A_18 : memref<1x125xi32, #tpu.memory_space<vmem>> -> memref<125xi32, #tpu.memory_space<vmem>>
        %dma_start3A_20 = arith.constant 0 : i32
        %dma_start3A_21 = arith.constant 0 : i32
        %dma_start3A_22 = tpu.memref_slice %arg8[%dma_start3A_20, %dma_start3A_21] : memref<10000x128xf32, #tpu.memory_space<vmem_shared>> -> memref<10000x128xf32, #tpu.memory_space<vmem_shared>>
        tpu.enqueue_indirect_dma source(%arg7 : memref<125x128xf32, #tpu.memory_space<vmem>>) target(%dma_start3A_22 : memref<10000x128xf32, #tpu.memory_space<vmem_shared>>) offsets(%dma_start3A_19 : memref<125xi32, #tpu.memory_space<vmem>>) semaphore(%run_scoped3A : memref<!tpu.dma_semaphore, #tpu.memory_space<semaphore_mem>>) {add = true}
        %dma_wait3A = arith.constant 0 : i32
        %dma_wait3A_23 = tpu.memref_slice %arg6[%scan3A_17, %dma_wait3A] : memref<80x125xi32, #tpu.memory_space<vmem>> -> memref<1x125xi32, #tpu.memory_space<vmem>>
        %dma_wait3A_24 = tpu.memref_squeeze %dma_wait3A_23 : memref<1x125xi32, #tpu.memory_space<vmem>> -> memref<125xi32, #tpu.memory_space<vmem>>
        %dma_wait3A_25 = arith.constant 0 : i32
        %dma_wait3A_26 = arith.constant 0 : i32
        %dma_wait3A_27 = tpu.memref_slice %arg8[%dma_wait3A_25, %dma_wait3A_26] : memref<10000x128xf32, #tpu.memory_space<vmem_shared>> -> memref<10000x128xf32, #tpu.memory_space<vmem_shared>>
        tpu.wait_indirect_dma semaphore(%run_scoped3A : memref<!tpu.dma_semaphore, #tpu.memory_space<semaphore_mem>>) src(%arg7 : memref<125x128xf32, #tpu.memory_space<vmem>>) dst(%dma_wait3A_27 : memref<10000x128xf32, #tpu.memory_space<vmem_shared>>)
        tpu.yield
      }) : () -> ()
    }
    %scan3A_8 = arith.constant 80 : i32
    %barrier3A_9 = arith.constant 0 : index
    tpu.barrier barrier_id(%barrier3A_9)
    %mul3A_10 = arith.constant 624 : i32
    %mul3A_11 = arith.muli %arg1, %mul3A_10 : i32
    %mul3A_12 = arith.constant 10000 : i32
    %mul3A_13 = arith.muli %arg0, %mul3A_12 : i32
    %mul3A_14 = arith.constant 624 : i32
    %mul3A_15 = arith.muli %arg1, %mul3A_14 : i32
    %add3A_16 = arith.addi %mul3A_13, %mul3A_15 : i32
    "tpu.region"() ({
      %run_scoped3A = tpu.sem_alloc : memref<!tpu.dma_semaphore, #tpu.memory_space<semaphore_mem>>
      %dma_start3A = arith.constant 0 : i32
      %dma_start3A_17 = tpu.memref_slice %arg5[%add3A_16, %dma_start3A] : memref<20000x128xf32, #tpu.memory_space<hbm>> -> memref<640x128xf32, #tpu.memory_space<hbm>>
      %dma_start3A_18 = arith.constant 0 : i32
      %dma_start3A_19 = tpu.memref_slice %arg8[%mul3A_11, %dma_start3A_18] : memref<10000x128xf32, #tpu.memory_space<vmem_shared>> -> memref<640x128xf32, #tpu.memory_space<vmem_shared>>
      tpu.enqueue_dma source(%dma_start3A_19 : memref<640x128xf32, #tpu.memory_space<vmem_shared>>) target(%dma_start3A_17 : memref<640x128xf32, #tpu.memory_space<hbm>>) target_semaphore(%run_scoped3A : memref<!tpu.dma_semaphore, #tpu.memory_space<semaphore_mem>>)
      %dma_wait3A = arith.constant 0 : i32
      %dma_wait3A_20 = tpu.memref_slice %arg5[%add3A_16, %dma_wait3A] : memref<20000x128xf32, #tpu.memory_space<hbm>> -> memref<640x128xf32, #tpu.memory_space<hbm>>
      %dma_wait3A_21 = arith.constant 0 : i32
      %dma_wait3A_22 = tpu.memref_slice %arg8[%mul3A_11, %dma_wait3A_21] : memref<10000x128xf32, #tpu.memory_space<vmem_shared>> -> memref<640x128xf32, #tpu.memory_space<vmem_shared>>
      tpu.wait_dma2 semaphore(%run_scoped3A : memref<!tpu.dma_semaphore, #tpu.memory_space<semaphore_mem>>) src(%dma_wait3A_22 : memref<640x128xf32, #tpu.memory_space<vmem_shared>>) dst(%dma_wait3A_20 : memref<640x128xf32, #tpu.memory_space<hbm>>)
      tpu.yield
    }) : () -> ()
    return
  }
}

#map = affine_map<(d0, d1) -> (0, 0)>
module attributes {stable_mosaic.version = 14 : i64} {
  func.func @_sc_spmm(%arg0: i32, %arg1: i32, %arg2: memref<10000x128xf32, #tpu.memory_space<hbm>>, %arg3: memref<2560x125xi32, #tpu.memory_space<hbm>>, %arg4: memref<2560x125xi32, #tpu.memory_space<hbm>>, %arg5: memref<640x128xf32, #tpu.memory_space<hbm>>, %arg6: memref<20000x128xf32, #tpu.memory_space<hbm>>, %arg7: memref<80x125xi32, #tpu.memory_space<vmem>>, %arg8: memref<80x125xi32, #tpu.memory_space<vmem>>, %arg9: memref<125x128xf32, #tpu.memory_space<vmem>>, %arg10: memref<10000x128xf32, #tpu.memory_space<vmem_shared>>, %arg11: memref<!tpu.dma_semaphore, #tpu.memory_space<semaphore_mem>>) attributes {dimension_semantics = [#tpu.dimension_semantics<core_parallel>, #tpu.dimension_semantics<subcore_parallel>], iteration_bounds = array<i64: 2, 16>, scalar_prefetch = 0 : i64, scratch_operands = 5 : i64, tpu.core_type = #tpu.core_type<sc_vector_subcore>, window_params = [{transform_indices = #map}, {transform_indices = #map}, {transform_indices = #map}, {transform_indices = #map}, {transform_indices = #map}]} {
    %mul3A = arith.constant 2 : i32
    %mul3A_0 = arith.muli %arg1, %mul3A : i32
    %add3A = arith.addi %mul3A_0, %arg0 : i32
    %mul3A_1 = arith.constant 624 : i32
    %mul3A_2 = arith.muli %arg1, %mul3A_1 : i32
    "tpu.region"() ({
      %run_scoped3A = tpu.sem_alloc : memref<!tpu.dma_semaphore, #tpu.memory_space<semaphore_mem>>
      %dma_start3A = arith.constant 0 : i32
      %dma_start3A_19 = tpu.memref_slice %arg10[%mul3A_2, %dma_start3A] : memref<10000x128xf32, #tpu.memory_space<vmem_shared>> -> memref<640x128xf32, #tpu.memory_space<vmem_shared>>
      tpu.enqueue_dma source(%arg5 : memref<640x128xf32, #tpu.memory_space<hbm>>) target(%dma_start3A_19 : memref<640x128xf32, #tpu.memory_space<vmem_shared>>) target_semaphore(%run_scoped3A : memref<!tpu.dma_semaphore, #tpu.memory_space<semaphore_mem>>)
      %dma_wait3A = arith.constant 0 : i32
      %dma_wait3A_20 = tpu.memref_slice %arg10[%mul3A_2, %dma_wait3A] : memref<10000x128xf32, #tpu.memory_space<vmem_shared>> -> memref<640x128xf32, #tpu.memory_space<vmem_shared>>
      tpu.wait_dma2 semaphore(%run_scoped3A : memref<!tpu.dma_semaphore, #tpu.memory_space<semaphore_mem>>) src(%arg5 : memref<640x128xf32, #tpu.memory_space<hbm>>) dst(%dma_wait3A_20 : memref<640x128xf32, #tpu.memory_space<vmem_shared>>)
      tpu.yield
    }) : () -> ()
    %mul3A_3 = arith.constant 80 : i32
    %mul3A_4 = arith.muli %add3A, %mul3A_3 : i32
    "tpu.region"() ({
      %run_scoped3A = tpu.sem_alloc : memref<!tpu.dma_semaphore, #tpu.memory_space<semaphore_mem>>
      %dma_start3A = arith.constant 0 : i32
      %dma_start3A_19 = tpu.memref_slice %arg3[%mul3A_4, %dma_start3A] : memref<2560x125xi32, #tpu.memory_space<hbm>> -> memref<80x125xi32, #tpu.memory_space<hbm>>
      %dma_start3A_20 = arith.constant 0 : i32
      %dma_start3A_21 = tpu.memref_slice %arg3[%mul3A_4, %dma_start3A_20] : memref<2560x125xi32, #tpu.memory_space<hbm>> -> memref<80x125xi32, #tpu.memory_space<hbm>>
      tpu.enqueue_dma source(%dma_start3A_21 : memref<80x125xi32, #tpu.memory_space<hbm>>) target(%arg7 : memref<80x125xi32, #tpu.memory_space<vmem>>) target_semaphore(%run_scoped3A : memref<!tpu.dma_semaphore, #tpu.memory_space<semaphore_mem>>)
      %dma_wait3A = arith.constant 0 : i32
      %dma_wait3A_22 = tpu.memref_slice %arg3[%mul3A_4, %dma_wait3A] : memref<2560x125xi32, #tpu.memory_space<hbm>> -> memref<80x125xi32, #tpu.memory_space<hbm>>
      %dma_wait3A_23 = arith.constant 0 : i32
      %dma_wait3A_24 = tpu.memref_slice %arg3[%mul3A_4, %dma_wait3A_23] : memref<2560x125xi32, #tpu.memory_space<hbm>> -> memref<80x125xi32, #tpu.memory_space<hbm>>
      tpu.wait_dma2 semaphore(%run_scoped3A : memref<!tpu.dma_semaphore, #tpu.memory_space<semaphore_mem>>) src(%dma_wait3A_24 : memref<80x125xi32, #tpu.memory_space<hbm>>) dst(%arg7 : memref<80x125xi32, #tpu.memory_space<vmem>>)
      tpu.yield
    }) : () -> ()
    %mul3A_5 = arith.constant 80 : i32
    %mul3A_6 = arith.muli %add3A, %mul3A_5 : i32
    "tpu.region"() ({
      %run_scoped3A = tpu.sem_alloc : memref<!tpu.dma_semaphore, #tpu.memory_space<semaphore_mem>>
      %dma_start3A = arith.constant 0 : i32
      %dma_start3A_19 = tpu.memref_slice %arg4[%mul3A_6, %dma_start3A] : memref<2560x125xi32, #tpu.memory_space<hbm>> -> memref<80x125xi32, #tpu.memory_space<hbm>>
      %dma_start3A_20 = arith.constant 0 : i32
      %dma_start3A_21 = tpu.memref_slice %arg4[%mul3A_6, %dma_start3A_20] : memref<2560x125xi32, #tpu.memory_space<hbm>> -> memref<80x125xi32, #tpu.memory_space<hbm>>
      tpu.enqueue_dma source(%dma_start3A_21 : memref<80x125xi32, #tpu.memory_space<hbm>>) target(%arg8 : memref<80x125xi32, #tpu.memory_space<vmem>>) target_semaphore(%run_scoped3A : memref<!tpu.dma_semaphore, #tpu.memory_space<semaphore_mem>>)
      %dma_wait3A = arith.constant 0 : i32
      %dma_wait3A_22 = tpu.memref_slice %arg4[%mul3A_6, %dma_wait3A] : memref<2560x125xi32, #tpu.memory_space<hbm>> -> memref<80x125xi32, #tpu.memory_space<hbm>>
      %dma_wait3A_23 = arith.constant 0 : i32
      %dma_wait3A_24 = tpu.memref_slice %arg4[%mul3A_6, %dma_wait3A_23] : memref<2560x125xi32, #tpu.memory_space<hbm>> -> memref<80x125xi32, #tpu.memory_space<hbm>>
      tpu.wait_dma2 semaphore(%run_scoped3A : memref<!tpu.dma_semaphore, #tpu.memory_space<semaphore_mem>>) src(%dma_wait3A_24 : memref<80x125xi32, #tpu.memory_space<hbm>>) dst(%arg8 : memref<80x125xi32, #tpu.memory_space<vmem>>)
      tpu.yield
    }) : () -> ()
    %barrier3A = arith.constant 0 : index
    tpu.barrier barrier_id(%barrier3A)
    %scan3A = arith.constant 0 : i32
    %scan3A_7 = arith.constant 80 : i32
    %scan3A_8 = arith.addi %scan3A, %scan3A_7 : i32
    %scan3A_9 = arith.constant 1 : i32
    scf.for %scan3A_19 = %scan3A to %scan3A_8 step %scan3A_9  : i32 {
      %dma_start3A = arith.constant 0 : i32
      %dma_start3A_20 = tpu.memref_slice %arg7[%scan3A_19, %dma_start3A] : memref<80x125xi32, #tpu.memory_space<vmem>> -> memref<1x125xi32, #tpu.memory_space<vmem>>
      %dma_start3A_21 = tpu.memref_squeeze %dma_start3A_20 : memref<1x125xi32, #tpu.memory_space<vmem>> -> memref<125xi32, #tpu.memory_space<vmem>>
      %dma_start3A_22 = arith.constant 0 : i32
      %dma_start3A_23 = arith.constant 0 : i32
      %dma_start3A_24 = tpu.memref_slice %arg2[%dma_start3A_22, %dma_start3A_23] : memref<10000x128xf32, #tpu.memory_space<hbm>> -> memref<10000x128xf32, #tpu.memory_space<hbm>>
      tpu.enqueue_indirect_dma source(%dma_start3A_24 : memref<10000x128xf32, #tpu.memory_space<hbm>>) target(%arg9 : memref<125x128xf32, #tpu.memory_space<vmem>>) offsets(%dma_start3A_21 : memref<125xi32, #tpu.memory_space<vmem>>) semaphore(%arg11 : memref<!tpu.dma_semaphore, #tpu.memory_space<semaphore_mem>>)
      %dma_wait3A = arith.constant 0 : i32
      %dma_wait3A_25 = tpu.memref_slice %arg7[%scan3A_19, %dma_wait3A] : memref<80x125xi32, #tpu.memory_space<vmem>> -> memref<1x125xi32, #tpu.memory_space<vmem>>
      %dma_wait3A_26 = tpu.memref_squeeze %dma_wait3A_25 : memref<1x125xi32, #tpu.memory_space<vmem>> -> memref<125xi32, #tpu.memory_space<vmem>>
      %dma_wait3A_27 = arith.constant 0 : i32
      %dma_wait3A_28 = arith.constant 0 : i32
      %dma_wait3A_29 = tpu.memref_slice %arg2[%dma_wait3A_27, %dma_wait3A_28] : memref<10000x128xf32, #tpu.memory_space<hbm>> -> memref<10000x128xf32, #tpu.memory_space<hbm>>
      tpu.wait_indirect_dma semaphore(%arg11 : memref<!tpu.dma_semaphore, #tpu.memory_space<semaphore_mem>>) src(%dma_wait3A_29 : memref<10000x128xf32, #tpu.memory_space<hbm>>) dst(%arg9 : memref<125x128xf32, #tpu.memory_space<vmem>>)
      "tpu.region"() ({
        %run_scoped3A = tpu.sem_alloc : memref<!tpu.dma_semaphore, #tpu.memory_space<semaphore_mem>>
        %dma_start3A_30 = arith.constant 0 : i32
        %dma_start3A_31 = tpu.memref_slice %arg8[%scan3A_19, %dma_start3A_30] : memref<80x125xi32, #tpu.memory_space<vmem>> -> memref<1x125xi32, #tpu.memory_space<vmem>>
        %dma_start3A_32 = tpu.memref_squeeze %dma_start3A_31 : memref<1x125xi32, #tpu.memory_space<vmem>> -> memref<125xi32, #tpu.memory_space<vmem>>
        %dma_start3A_33 = arith.constant 0 : i32
        %dma_start3A_34 = arith.constant 0 : i32
        %dma_start3A_35 = tpu.memref_slice %arg10[%dma_start3A_33, %dma_start3A_34] : memref<10000x128xf32, #tpu.memory_space<vmem_shared>> -> memref<10000x128xf32, #tpu.memory_space<vmem_shared>>
        tpu.enqueue_indirect_dma source(%arg9 : memref<125x128xf32, #tpu.memory_space<vmem>>) target(%dma_start3A_35 : memref<10000x128xf32, #tpu.memory_space<vmem_shared>>) offsets(%dma_start3A_32 : memref<125xi32, #tpu.memory_space<vmem>>) semaphore(%run_scoped3A : memref<!tpu.dma_semaphore, #tpu.memory_space<semaphore_mem>>) {add = true}
        %dma_wait3A_36 = arith.constant 0 : i32
        %dma_wait3A_37 = tpu.memref_slice %arg8[%scan3A_19, %dma_wait3A_36] : memref<80x125xi32, #tpu.memory_space<vmem>> -> memref<1x125xi32, #tpu.memory_space<vmem>>
        %dma_wait3A_38 = tpu.memref_squeeze %dma_wait3A_37 : memref<1x125xi32, #tpu.memory_space<vmem>> -> memref<125xi32, #tpu.memory_space<vmem>>
        %dma_wait3A_39 = arith.constant 0 : i32
        %dma_wait3A_40 = arith.constant 0 : i32
        %dma_wait3A_41 = tpu.memref_slice %arg10[%dma_wait3A_39, %dma_wait3A_40] : memref<10000x128xf32, #tpu.memory_space<vmem_shared>> -> memref<10000x128xf32, #tpu.memory_space<vmem_shared>>
        tpu.wait_indirect_dma semaphore(%run_scoped3A : memref<!tpu.dma_semaphore, #tpu.memory_space<semaphore_mem>>) src(%arg9 : memref<125x128xf32, #tpu.memory_space<vmem>>) dst(%dma_wait3A_41 : memref<10000x128xf32, #tpu.memory_space<vmem_shared>>)
        tpu.yield
      }) : () -> ()
    }
    %scan3A_10 = arith.constant 80 : i32
    %barrier3A_11 = arith.constant 0 : index
    tpu.barrier barrier_id(%barrier3A_11)
    %mul3A_12 = arith.constant 624 : i32
    %mul3A_13 = arith.muli %arg1, %mul3A_12 : i32
    %mul3A_14 = arith.constant 10000 : i32
    %mul3A_15 = arith.muli %arg0, %mul3A_14 : i32
    %mul3A_16 = arith.constant 624 : i32
    %mul3A_17 = arith.muli %arg1, %mul3A_16 : i32
    %add3A_18 = arith.addi %mul3A_15, %mul3A_17 : i32
    "tpu.region"() ({
      %run_scoped3A = tpu.sem_alloc : memref<!tpu.dma_semaphore, #tpu.memory_space<semaphore_mem>>
      %dma_start3A = arith.constant 0 : i32
      %dma_start3A_19 = tpu.memref_slice %arg6[%add3A_18, %dma_start3A] : memref<20000x128xf32, #tpu.memory_space<hbm>> -> memref<640x128xf32, #tpu.memory_space<hbm>>
      %dma_start3A_20 = arith.constant 0 : i32
      %dma_start3A_21 = tpu.memref_slice %arg10[%mul3A_13, %dma_start3A_20] : memref<10000x128xf32, #tpu.memory_space<vmem_shared>> -> memref<640x128xf32, #tpu.memory_space<vmem_shared>>
      tpu.enqueue_dma source(%dma_start3A_21 : memref<640x128xf32, #tpu.memory_space<vmem_shared>>) target(%dma_start3A_19 : memref<640x128xf32, #tpu.memory_space<hbm>>) target_semaphore(%run_scoped3A : memref<!tpu.dma_semaphore, #tpu.memory_space<semaphore_mem>>)
      %dma_wait3A = arith.constant 0 : i32
      %dma_wait3A_22 = tpu.memref_slice %arg6[%add3A_18, %dma_wait3A] : memref<20000x128xf32, #tpu.memory_space<hbm>> -> memref<640x128xf32, #tpu.memory_space<hbm>>
      %dma_wait3A_23 = arith.constant 0 : i32
      %dma_wait3A_24 = tpu.memref_slice %arg10[%mul3A_13, %dma_wait3A_23] : memref<10000x128xf32, #tpu.memory_space<vmem_shared>> -> memref<640x128xf32, #tpu.memory_space<vmem_shared>>
      tpu.wait_dma2 semaphore(%run_scoped3A : memref<!tpu.dma_semaphore, #tpu.memory_space<semaphore_mem>>) src(%dma_wait3A_24 : memref<640x128xf32, #tpu.memory_space<vmem_shared>>) dst(%dma_wait3A_22 : memref<640x128xf32, #tpu.memory_space<hbm>>)
      tpu.yield
    }) : () -> ()
    return
  }
}

#map = affine_map<(d0, d1) -> (0, 0)>
module attributes {stable_mosaic.version = 14 : i64} {
  func.func @_sc_spmm(%arg0: i32, %arg1: i32, %arg2: memref<10000x128xf32, #tpu.memory_space<hbm>>, %arg3: memref<2560x125xi32, #tpu.memory_space<hbm>>, %arg4: memref<2560x125xi32, #tpu.memory_space<hbm>>, %arg5: memref<640x128xf32, #tpu.memory_space<hbm>>, %arg6: memref<20000x128xf32, #tpu.memory_space<hbm>>, %arg7: memref<80x125xi32, #tpu.memory_space<vmem>>, %arg8: memref<80x125xi32, #tpu.memory_space<vmem>>, %arg9: memref<125x128xf32, #tpu.memory_space<vmem>>, %arg10: memref<10000x128xf32, #tpu.memory_space<vmem_shared>>, %arg11: memref<!tpu.dma_semaphore, #tpu.memory_space<semaphore_mem>>) attributes {dimension_semantics = [#tpu.dimension_semantics<core_parallel>, #tpu.dimension_semantics<subcore_parallel>], iteration_bounds = array<i64: 2, 16>, scalar_prefetch = 0 : i64, scratch_operands = 5 : i64, tpu.core_type = #tpu.core_type<sc_vector_subcore>, window_params = [{transform_indices = #map}, {transform_indices = #map}, {transform_indices = #map}, {transform_indices = #map}, {transform_indices = #map}]} {
    %mul3A = arith.constant 2 : i32
    %mul3A_0 = arith.muli %arg1, %mul3A : i32
    %add3A = arith.addi %mul3A_0, %arg0 : i32
    %mul3A_1 = arith.constant 624 : i32
    %mul3A_2 = arith.muli %arg1, %mul3A_1 : i32
    "tpu.region"() ({
      %run_scoped3A = tpu.sem_alloc : memref<!tpu.dma_semaphore, #tpu.memory_space<semaphore_mem>>
      %dma_start3A = arith.constant 0 : i32
      %dma_start3A_19 = tpu.memref_slice %arg10[%mul3A_2, %dma_start3A] : memref<10000x128xf32, #tpu.memory_space<vmem_shared>> -> memref<640x128xf32, #tpu.memory_space<vmem_shared>>
      tpu.enqueue_dma source(%arg5 : memref<640x128xf32, #tpu.memory_space<hbm>>) target(%dma_start3A_19 : memref<640x128xf32, #tpu.memory_space<vmem_shared>>) target_semaphore(%run_scoped3A : memref<!tpu.dma_semaphore, #tpu.memory_space<semaphore_mem>>)
      %dma_wait3A = arith.constant 0 : i32
      %dma_wait3A_20 = tpu.memref_slice %arg10[%mul3A_2, %dma_wait3A] : memref<10000x128xf32, #tpu.memory_space<vmem_shared>> -> memref<640x128xf32, #tpu.memory_space<vmem_shared>>
      tpu.wait_dma2 semaphore(%run_scoped3A : memref<!tpu.dma_semaphore, #tpu.memory_space<semaphore_mem>>) src(%arg5 : memref<640x128xf32, #tpu.memory_space<hbm>>) dst(%dma_wait3A_20 : memref<640x128xf32, #tpu.memory_space<vmem_shared>>)
      tpu.yield
    }) : () -> ()
    %mul3A_3 = arith.constant 80 : i32
    %mul3A_4 = arith.muli %add3A, %mul3A_3 : i32
    "tpu.region"() ({
      %run_scoped3A = tpu.sem_alloc : memref<!tpu.dma_semaphore, #tpu.memory_space<semaphore_mem>>
      %dma_start3A = arith.constant 0 : i32
      %dma_start3A_19 = tpu.memref_slice %arg3[%mul3A_4, %dma_start3A] : memref<2560x125xi32, #tpu.memory_space<hbm>> -> memref<80x125xi32, #tpu.memory_space<hbm>>
      %dma_start3A_20 = arith.constant 0 : i32
      %dma_start3A_21 = tpu.memref_slice %arg3[%mul3A_4, %dma_start3A_20] : memref<2560x125xi32, #tpu.memory_space<hbm>> -> memref<80x125xi32, #tpu.memory_space<hbm>>
      tpu.enqueue_dma source(%dma_start3A_21 : memref<80x125xi32, #tpu.memory_space<hbm>>) target(%arg7 : memref<80x125xi32, #tpu.memory_space<vmem>>) target_semaphore(%run_scoped3A : memref<!tpu.dma_semaphore, #tpu.memory_space<semaphore_mem>>)
      %dma_wait3A = arith.constant 0 : i32
      %dma_wait3A_22 = tpu.memref_slice %arg3[%mul3A_4, %dma_wait3A] : memref<2560x125xi32, #tpu.memory_space<hbm>> -> memref<80x125xi32, #tpu.memory_space<hbm>>
      %dma_wait3A_23 = arith.constant 0 : i32
      %dma_wait3A_24 = tpu.memref_slice %arg3[%mul3A_4, %dma_wait3A_23] : memref<2560x125xi32, #tpu.memory_space<hbm>> -> memref<80x125xi32, #tpu.memory_space<hbm>>
      tpu.wait_dma2 semaphore(%run_scoped3A : memref<!tpu.dma_semaphore, #tpu.memory_space<semaphore_mem>>) src(%dma_wait3A_24 : memref<80x125xi32, #tpu.memory_space<hbm>>) dst(%arg7 : memref<80x125xi32, #tpu.memory_space<vmem>>)
      tpu.yield
    }) : () -> ()
    %mul3A_5 = arith.constant 80 : i32
    %mul3A_6 = arith.muli %add3A, %mul3A_5 : i32
    "tpu.region"() ({
      %run_scoped3A = tpu.sem_alloc : memref<!tpu.dma_semaphore, #tpu.memory_space<semaphore_mem>>
      %dma_start3A = arith.constant 0 : i32
      %dma_start3A_19 = tpu.memref_slice %arg4[%mul3A_6, %dma_start3A] : memref<2560x125xi32, #tpu.memory_space<hbm>> -> memref<80x125xi32, #tpu.memory_space<hbm>>
      %dma_start3A_20 = arith.constant 0 : i32
      %dma_start3A_21 = tpu.memref_slice %arg4[%mul3A_6, %dma_start3A_20] : memref<2560x125xi32, #tpu.memory_space<hbm>> -> memref<80x125xi32, #tpu.memory_space<hbm>>
      tpu.enqueue_dma source(%dma_start3A_21 : memref<80x125xi32, #tpu.memory_space<hbm>>) target(%arg8 : memref<80x125xi32, #tpu.memory_space<vmem>>) target_semaphore(%run_scoped3A : memref<!tpu.dma_semaphore, #tpu.memory_space<semaphore_mem>>)
      %dma_wait3A = arith.constant 0 : i32
      %dma_wait3A_22 = tpu.memref_slice %arg4[%mul3A_6, %dma_wait3A] : memref<2560x125xi32, #tpu.memory_space<hbm>> -> memref<80x125xi32, #tpu.memory_space<hbm>>
      %dma_wait3A_23 = arith.constant 0 : i32
      %dma_wait3A_24 = tpu.memref_slice %arg4[%mul3A_6, %dma_wait3A_23] : memref<2560x125xi32, #tpu.memory_space<hbm>> -> memref<80x125xi32, #tpu.memory_space<hbm>>
      tpu.wait_dma2 semaphore(%run_scoped3A : memref<!tpu.dma_semaphore, #tpu.memory_space<semaphore_mem>>) src(%dma_wait3A_24 : memref<80x125xi32, #tpu.memory_space<hbm>>) dst(%arg8 : memref<80x125xi32, #tpu.memory_space<vmem>>)
      tpu.yield
    }) : () -> ()
    %barrier3A = arith.constant 0 : index
    tpu.barrier barrier_id(%barrier3A)
    %scan3A = arith.constant 0 : i32
    %scan3A_7 = arith.constant 80 : i32
    %scan3A_8 = arith.addi %scan3A, %scan3A_7 : i32
    %scan3A_9 = arith.constant 1 : i32
    scf.for %scan3A_19 = %scan3A to %scan3A_8 step %scan3A_9  : i32 {
      %dma_start3A = arith.constant 0 : i32
      %dma_start3A_20 = tpu.memref_slice %arg7[%scan3A_19, %dma_start3A] : memref<80x125xi32, #tpu.memory_space<vmem>> -> memref<1x125xi32, #tpu.memory_space<vmem>>
      %dma_start3A_21 = tpu.memref_squeeze %dma_start3A_20 : memref<1x125xi32, #tpu.memory_space<vmem>> -> memref<125xi32, #tpu.memory_space<vmem>>
      %dma_start3A_22 = arith.constant 0 : i32
      %dma_start3A_23 = arith.constant 0 : i32
      %dma_start3A_24 = tpu.memref_slice %arg2[%dma_start3A_22, %dma_start3A_23] : memref<10000x128xf32, #tpu.memory_space<hbm>> -> memref<10000x128xf32, #tpu.memory_space<hbm>>
      tpu.enqueue_indirect_dma source(%dma_start3A_24 : memref<10000x128xf32, #tpu.memory_space<hbm>>) target(%arg9 : memref<125x128xf32, #tpu.memory_space<vmem>>) offsets(%dma_start3A_21 : memref<125xi32, #tpu.memory_space<vmem>>) semaphore(%arg11 : memref<!tpu.dma_semaphore, #tpu.memory_space<semaphore_mem>>)
      %dma_wait3A = arith.constant 0 : i32
      %dma_wait3A_25 = tpu.memref_slice %arg7[%scan3A_19, %dma_wait3A] : memref<80x125xi32, #tpu.memory_space<vmem>> -> memref<1x125xi32, #tpu.memory_space<vmem>>
      %dma_wait3A_26 = tpu.memref_squeeze %dma_wait3A_25 : memref<1x125xi32, #tpu.memory_space<vmem>> -> memref<125xi32, #tpu.memory_space<vmem>>
      %dma_wait3A_27 = arith.constant 0 : i32
      %dma_wait3A_28 = arith.constant 0 : i32
      %dma_wait3A_29 = tpu.memref_slice %arg2[%dma_wait3A_27, %dma_wait3A_28] : memref<10000x128xf32, #tpu.memory_space<hbm>> -> memref<10000x128xf32, #tpu.memory_space<hbm>>
      tpu.wait_indirect_dma semaphore(%arg11 : memref<!tpu.dma_semaphore, #tpu.memory_space<semaphore_mem>>) src(%dma_wait3A_29 : memref<10000x128xf32, #tpu.memory_space<hbm>>) dst(%arg9 : memref<125x128xf32, #tpu.memory_space<vmem>>)
      "tpu.region"() ({
        %run_scoped3A = tpu.sem_alloc : memref<!tpu.dma_semaphore, #tpu.memory_space<semaphore_mem>>
        %dma_start3A_30 = arith.constant 0 : i32
        %dma_start3A_31 = tpu.memref_slice %arg8[%scan3A_19, %dma_start3A_30] : memref<80x125xi32, #tpu.memory_space<vmem>> -> memref<1x125xi32, #tpu.memory_space<vmem>>
        %dma_start3A_32 = tpu.memref_squeeze %dma_start3A_31 : memref<1x125xi32, #tpu.memory_space<vmem>> -> memref<125xi32, #tpu.memory_space<vmem>>
        %dma_start3A_33 = arith.constant 0 : i32
        %dma_start3A_34 = arith.constant 0 : i32
        %dma_start3A_35 = tpu.memref_slice %arg10[%dma_start3A_33, %dma_start3A_34] : memref<10000x128xf32, #tpu.memory_space<vmem_shared>> -> memref<10000x128xf32, #tpu.memory_space<vmem_shared>>
        tpu.enqueue_indirect_dma source(%arg9 : memref<125x128xf32, #tpu.memory_space<vmem>>) target(%dma_start3A_35 : memref<10000x128xf32, #tpu.memory_space<vmem_shared>>) offsets(%dma_start3A_32 : memref<125xi32, #tpu.memory_space<vmem>>) semaphore(%run_scoped3A : memref<!tpu.dma_semaphore, #tpu.memory_space<semaphore_mem>>) {add = true}
        %dma_wait3A_36 = arith.constant 0 : i32
        %dma_wait3A_37 = tpu.memref_slice %arg8[%scan3A_19, %dma_wait3A_36] : memref<80x125xi32, #tpu.memory_space<vmem>> -> memref<1x125xi32, #tpu.memory_space<vmem>>
        %dma_wait3A_38 = tpu.memref_squeeze %dma_wait3A_37 : memref<1x125xi32, #tpu.memory_space<vmem>> -> memref<125xi32, #tpu.memory_space<vmem>>
        %dma_wait3A_39 = arith.constant 0 : i32
        %dma_wait3A_40 = arith.constant 0 : i32
        %dma_wait3A_41 = tpu.memref_slice %arg10[%dma_wait3A_39, %dma_wait3A_40] : memref<10000x128xf32, #tpu.memory_space<vmem_shared>> -> memref<10000x128xf32, #tpu.memory_space<vmem_shared>>
        tpu.wait_indirect_dma semaphore(%run_scoped3A : memref<!tpu.dma_semaphore, #tpu.memory_space<semaphore_mem>>) src(%arg9 : memref<125x128xf32, #tpu.memory_space<vmem>>) dst(%dma_wait3A_41 : memref<10000x128xf32, #tpu.memory_space<vmem_shared>>)
        tpu.yield
      }) : () -> ()
    }
    %scan3A_10 = arith.constant 80 : i32
    %barrier3A_11 = arith.constant 0 : index
    tpu.barrier barrier_id(%barrier3A_11)
    %mul3A_12 = arith.constant 624 : i32
    %mul3A_13 = arith.muli %arg1, %mul3A_12 : i32
    %mul3A_14 = arith.constant 10000 : i32
    %mul3A_15 = arith.muli %arg0, %mul3A_14 : i32
    %mul3A_16 = arith.constant 624 : i32
    %mul3A_17 = arith.muli %arg1, %mul3A_16 : i32
    %add3A_18 = arith.addi %mul3A_15, %mul3A_17 : i32
    "tpu.region"() ({
      %run_scoped3A = tpu.sem_alloc : memref<!tpu.dma_semaphore, #tpu.memory_space<semaphore_mem>>
      %dma_start3A = arith.constant 0 : i32
      %dma_start3A_19 = tpu.memref_slice %arg6[%add3A_18, %dma_start3A] : memref<20000x128xf32, #tpu.memory_space<hbm>> -> memref<640x128xf32, #tpu.memory_space<hbm>>
      %dma_start3A_20 = arith.constant 0 : i32
      %dma_start3A_21 = tpu.memref_slice %arg10[%mul3A_13, %dma_start3A_20] : memref<10000x128xf32, #tpu.memory_space<vmem_shared>> -> memref<640x128xf32, #tpu.memory_space<vmem_shared>>
      tpu.enqueue_dma source(%dma_start3A_21 : memref<640x128xf32, #tpu.memory_space<vmem_shared>>) target(%dma_start3A_19 : memref<640x128xf32, #tpu.memory_space<hbm>>) target_semaphore(%run_scoped3A : memref<!tpu.dma_semaphore, #tpu.memory_space<semaphore_mem>>)
      %dma_wait3A = arith.constant 0 : i32
      %dma_wait3A_22 = tpu.memref_slice %arg6[%add3A_18, %dma_wait3A] : memref<20000x128xf32, #tpu.memory_space<hbm>> -> memref<640x128xf32, #tpu.memory_space<hbm>>
      %dma_wait3A_23 = arith.constant 0 : i32
      %dma_wait3A_24 = tpu.memref_slice %arg10[%mul3A_13, %dma_wait3A_23] : memref<10000x128xf32, #tpu.memory_space<vmem_shared>> -> memref<640x128xf32, #tpu.memory_space<vmem_shared>>
      tpu.wait_dma2 semaphore(%run_scoped3A : memref<!tpu.dma_semaphore, #tpu.memory_space<semaphore_mem>>) src(%dma_wait3A_24 : memref<640x128xf32, #tpu.memory_space<vmem_shared>>) dst(%dma_wait3A_22 : memref<640x128xf32, #tpu.memory_space<hbm>>)
      tpu.yield
    }) : () -> ()
    return
  }
}

#map = affine_map<(d0, d1) -> (0, 0)>
module attributes {stable_mosaic.version = 14 : i64} {
  func.func @_sc_degrees(%arg0: i32, %arg1: i32, %arg2: memref<2560x125xi32, #tpu.memory_space<hbm>>, %arg3: memref<125x128xf32, #tpu.memory_space<hbm>>, %arg4: memref<640x128xf32, #tpu.memory_space<hbm>>, %arg5: memref<20000x128xf32, #tpu.memory_space<hbm>>, %arg6: memref<80x125xi32, #tpu.memory_space<vmem>>, %arg7: memref<125x128xf32, #tpu.memory_space<vmem>>, %arg8: memref<10000x128xf32, #tpu.memory_space<vmem_shared>>) attributes {dimension_semantics = [#tpu.dimension_semantics<core_parallel>, #tpu.dimension_semantics<subcore_parallel>], iteration_bounds = array<i64: 2, 16>, scalar_prefetch = 0 : i64, scratch_operands = 3 : i64, tpu.core_type = #tpu.core_type<sc_vector_subcore>, window_params = [{transform_indices = #map}, {transform_indices = #map}, {transform_indices = #map}, {transform_indices = #map}]} {
    %mul3A = arith.constant 2 : i32
    %mul3A_0 = arith.muli %arg1, %mul3A : i32
    %add3A = arith.addi %mul3A_0, %arg0 : i32
    %mul3A_1 = arith.constant 624 : i32
    %mul3A_2 = arith.muli %arg1, %mul3A_1 : i32
    "tpu.region"() ({
      %run_scoped3A = tpu.sem_alloc : memref<!tpu.dma_semaphore, #tpu.memory_space<semaphore_mem>>
      %dma_start3A = arith.constant 0 : i32
      %dma_start3A_17 = tpu.memref_slice %arg8[%mul3A_2, %dma_start3A] : memref<10000x128xf32, #tpu.memory_space<vmem_shared>> -> memref<640x128xf32, #tpu.memory_space<vmem_shared>>
      tpu.enqueue_dma source(%arg4 : memref<640x128xf32, #tpu.memory_space<hbm>>) target(%dma_start3A_17 : memref<640x128xf32, #tpu.memory_space<vmem_shared>>) target_semaphore(%run_scoped3A : memref<!tpu.dma_semaphore, #tpu.memory_space<semaphore_mem>>)
      %dma_wait3A = arith.constant 0 : i32
      %dma_wait3A_18 = tpu.memref_slice %arg8[%mul3A_2, %dma_wait3A] : memref<10000x128xf32, #tpu.memory_space<vmem_shared>> -> memref<640x128xf32, #tpu.memory_space<vmem_shared>>
      tpu.wait_dma2 semaphore(%run_scoped3A : memref<!tpu.dma_semaphore, #tpu.memory_space<semaphore_mem>>) src(%arg4 : memref<640x128xf32, #tpu.memory_space<hbm>>) dst(%dma_wait3A_18 : memref<640x128xf32, #tpu.memory_space<vmem_shared>>)
      tpu.yield
    }) : () -> ()
    %mul3A_3 = arith.constant 80 : i32
    %mul3A_4 = arith.muli %add3A, %mul3A_3 : i32
    "tpu.region"() ({
      %run_scoped3A = tpu.sem_alloc : memref<!tpu.dma_semaphore, #tpu.memory_space<semaphore_mem>>
      %dma_start3A = arith.constant 0 : i32
      %dma_start3A_17 = tpu.memref_slice %arg2[%mul3A_4, %dma_start3A] : memref<2560x125xi32, #tpu.memory_space<hbm>> -> memref<80x125xi32, #tpu.memory_space<hbm>>
      %dma_start3A_18 = arith.constant 0 : i32
      %dma_start3A_19 = tpu.memref_slice %arg2[%mul3A_4, %dma_start3A_18] : memref<2560x125xi32, #tpu.memory_space<hbm>> -> memref<80x125xi32, #tpu.memory_space<hbm>>
      tpu.enqueue_dma source(%dma_start3A_19 : memref<80x125xi32, #tpu.memory_space<hbm>>) target(%arg6 : memref<80x125xi32, #tpu.memory_space<vmem>>) target_semaphore(%run_scoped3A : memref<!tpu.dma_semaphore, #tpu.memory_space<semaphore_mem>>)
      %dma_wait3A = arith.constant 0 : i32
      %dma_wait3A_20 = tpu.memref_slice %arg2[%mul3A_4, %dma_wait3A] : memref<2560x125xi32, #tpu.memory_space<hbm>> -> memref<80x125xi32, #tpu.memory_space<hbm>>
      %dma_wait3A_21 = arith.constant 0 : i32
      %dma_wait3A_22 = tpu.memref_slice %arg2[%mul3A_4, %dma_wait3A_21] : memref<2560x125xi32, #tpu.memory_space<hbm>> -> memref<80x125xi32, #tpu.memory_space<hbm>>
      tpu.wait_dma2 semaphore(%run_scoped3A : memref<!tpu.dma_semaphore, #tpu.memory_space<semaphore_mem>>) src(%dma_wait3A_22 : memref<80x125xi32, #tpu.memory_space<hbm>>) dst(%arg6 : memref<80x125xi32, #tpu.memory_space<vmem>>)
      tpu.yield
    }) : () -> ()
    "tpu.region"() ({
      %run_scoped3A = tpu.sem_alloc : memref<!tpu.dma_semaphore, #tpu.memory_space<semaphore_mem>>
      tpu.enqueue_dma source(%arg3 : memref<125x128xf32, #tpu.memory_space<hbm>>) target(%arg7 : memref<125x128xf32, #tpu.memory_space<vmem>>) target_semaphore(%run_scoped3A : memref<!tpu.dma_semaphore, #tpu.memory_space<semaphore_mem>>)
      tpu.wait_dma2 semaphore(%run_scoped3A : memref<!tpu.dma_semaphore, #tpu.memory_space<semaphore_mem>>) src(%arg3 : memref<125x128xf32, #tpu.memory_space<hbm>>) dst(%arg7 : memref<125x128xf32, #tpu.memory_space<vmem>>)
      tpu.yield
    }) : () -> ()
    %barrier3A = arith.constant 0 : index
    tpu.barrier barrier_id(%barrier3A)
    %scan3A = arith.constant 0 : i32
    %scan3A_5 = arith.constant 80 : i32
    %scan3A_6 = arith.addi %scan3A, %scan3A_5 : i32
    %scan3A_7 = arith.constant 1 : i32
    scf.for %scan3A_17 = %scan3A to %scan3A_6 step %scan3A_7  : i32 {
      "tpu.region"() ({
        %run_scoped3A = tpu.sem_alloc : memref<!tpu.dma_semaphore, #tpu.memory_space<semaphore_mem>>
        %dma_start3A = arith.constant 0 : i32
        %dma_start3A_18 = tpu.memref_slice %arg6[%scan3A_17, %dma_start3A] : memref<80x125xi32, #tpu.memory_space<vmem>> -> memref<1x125xi32, #tpu.memory_space<vmem>>
        %dma_start3A_19 = tpu.memref_squeeze %dma_start3A_18 : memref<1x125xi32, #tpu.memory_space<vmem>> -> memref<125xi32, #tpu.memory_space<vmem>>
        %dma_start3A_20 = arith.constant 0 : i32
        %dma_start3A_21 = arith.constant 0 : i32
        %dma_start3A_22 = tpu.memref_slice %arg8[%dma_start3A_20, %dma_start3A_21] : memref<10000x128xf32, #tpu.memory_space<vmem_shared>> -> memref<10000x128xf32, #tpu.memory_space<vmem_shared>>
        tpu.enqueue_indirect_dma source(%arg7 : memref<125x128xf32, #tpu.memory_space<vmem>>) target(%dma_start3A_22 : memref<10000x128xf32, #tpu.memory_space<vmem_shared>>) offsets(%dma_start3A_19 : memref<125xi32, #tpu.memory_space<vmem>>) semaphore(%run_scoped3A : memref<!tpu.dma_semaphore, #tpu.memory_space<semaphore_mem>>) {add = true}
        %dma_wait3A = arith.constant 0 : i32
        %dma_wait3A_23 = tpu.memref_slice %arg6[%scan3A_17, %dma_wait3A] : memref<80x125xi32, #tpu.memory_space<vmem>> -> memref<1x125xi32, #tpu.memory_space<vmem>>
        %dma_wait3A_24 = tpu.memref_squeeze %dma_wait3A_23 : memref<1x125xi32, #tpu.memory_space<vmem>> -> memref<125xi32, #tpu.memory_space<vmem>>
        %dma_wait3A_25 = arith.constant 0 : i32
        %dma_wait3A_26 = arith.constant 0 : i32
        %dma_wait3A_27 = tpu.memref_slice %arg8[%dma_wait3A_25, %dma_wait3A_26] : memref<10000x128xf32, #tpu.memory_space<vmem_shared>> -> memref<10000x128xf32, #tpu.memory_space<vmem_shared>>
        tpu.wait_indirect_dma semaphore(%run_scoped3A : memref<!tpu.dma_semaphore, #tpu.memory_space<semaphore_mem>>) src(%arg7 : memref<125x128xf32, #tpu.memory_space<vmem>>) dst(%dma_wait3A_27 : memref<10000x128xf32, #tpu.memory_space<vmem_shared>>)
        tpu.yield
      }) : () -> ()
    }
    %scan3A_8 = arith.constant 80 : i32
    %barrier3A_9 = arith.constant 0 : index
    tpu.barrier barrier_id(%barrier3A_9)
    %mul3A_10 = arith.constant 624 : i32
    %mul3A_11 = arith.muli %arg1, %mul3A_10 : i32
    %mul3A_12 = arith.constant 10000 : i32
    %mul3A_13 = arith.muli %arg0, %mul3A_12 : i32
    %mul3A_14 = arith.constant 624 : i32
    %mul3A_15 = arith.muli %arg1, %mul3A_14 : i32
    %add3A_16 = arith.addi %mul3A_13, %mul3A_15 : i32
    "tpu.region"() ({
      %run_scoped3A = tpu.sem_alloc : memref<!tpu.dma_semaphore, #tpu.memory_space<semaphore_mem>>
      %dma_start3A = arith.constant 0 : i32
      %dma_start3A_17 = tpu.memref_slice %arg5[%add3A_16, %dma_start3A] : memref<20000x128xf32, #tpu.memory_space<hbm>> -> memref<640x128xf32, #tpu.memory_space<hbm>>
      %dma_start3A_18 = arith.constant 0 : i32
      %dma_start3A_19 = tpu.memref_slice %arg8[%mul3A_11, %dma_start3A_18] : memref<10000x128xf32, #tpu.memory_space<vmem_shared>> -> memref<640x128xf32, #tpu.memory_space<vmem_shared>>
      tpu.enqueue_dma source(%dma_start3A_19 : memref<640x128xf32, #tpu.memory_space<vmem_shared>>) target(%dma_start3A_17 : memref<640x128xf32, #tpu.memory_space<hbm>>) target_semaphore(%run_scoped3A : memref<!tpu.dma_semaphore, #tpu.memory_space<semaphore_mem>>)
      %dma_wait3A = arith.constant 0 : i32
      %dma_wait3A_20 = tpu.memref_slice %arg5[%add3A_16, %dma_wait3A] : memref<20000x128xf32, #tpu.memory_space<hbm>> -> memref<640x128xf32, #tpu.memory_space<hbm>>
      %dma_wait3A_21 = arith.constant 0 : i32
      %dma_wait3A_22 = tpu.memref_slice %arg8[%mul3A_11, %dma_wait3A_21] : memref<10000x128xf32, #tpu.memory_space<vmem_shared>> -> memref<640x128xf32, #tpu.memory_space<vmem_shared>>
      tpu.wait_dma2 semaphore(%run_scoped3A : memref<!tpu.dma_semaphore, #tpu.memory_space<semaphore_mem>>) src(%dma_wait3A_22 : memref<640x128xf32, #tpu.memory_space<vmem_shared>>) dst(%dma_wait3A_20 : memref<640x128xf32, #tpu.memory_space<hbm>>)
      tpu.yield
    }) : () -> ()
    return
  }
}

module attributes {stable_mosaic.version = 14 : i64} {
  func.func @_norms_body(%arg0: i32, %arg1: memref<1000x128xf32, #tpu.memory_space<vmem>>, %arg2: memref<1000x128xf32, #tpu.memory_space<vmem>>, %arg3: memref<1000x128xf32, #tpu.memory_space<vmem>>, %arg4: memref<1000x128xf32, #tpu.memory_space<vmem>>, %arg5: memref<1000x128xf32, #tpu.memory_space<vmem>>, %arg6: memref<1000x128xf32, #tpu.memory_space<vmem>>, %arg7: memref<1000x128xf32, #tpu.memory_space<vmem>>, %arg8: memref<1000x128xf32, #tpu.memory_space<vmem>>) attributes {dimension_semantics = [#tpu.dimension_semantics<arbitrary>], iteration_bounds = array<i64: 10>, scalar_prefetch = 0 : i64, scratch_operands = 0 : i64, tpu.core_type = #tpu.core_type<tc>, window_params = [{transform_indices = @transform_0, window_bounds = array<i64: 1000, 128>}, {transform_indices = @transform_1, window_bounds = array<i64: 1000, 128>}, {transform_indices = @transform_2, window_bounds = array<i64: 1000, 128>}, {transform_indices = @transform_3, window_bounds = array<i64: 1000, 128>}, {transform_indices = @transform_4, window_bounds = array<i64: 1000, 128>}, {transform_indices = @transform_5, window_bounds = array<i64: 1000, 128>}, {transform_indices = @transform_6, window_bounds = array<i64: 1000, 128>}, {transform_indices = @transform_7, window_bounds = array<i64: 1000, 128>}]} {
    %get3A = arith.constant 0 : index
    %get3A_0 = arith.constant 0 : index
    %get3A_1 = vector.load %arg1[%get3A, %get3A_0] : memref<1000x128xf32, #tpu.memory_space<vmem>>, vector<1000x128xf32>
    %get3A_2 = arith.constant 0 : index
    %get3A_3 = arith.constant 0 : index
    %get3A_4 = vector.load %arg2[%get3A_2, %get3A_3] : memref<1000x128xf32, #tpu.memory_space<vmem>>, vector<1000x128xf32>
    %add3A = arith.addf %get3A_1, %get3A_4 : vector<1000x128xf32>
    %max3A = arith.constant 1.000000e+00 : f32
    %max3A_5 = vector.broadcast %max3A : f32 to vector<1000x128xf32>
    %max3A_6 = arith.maximumf %add3A, %max3A_5 : vector<1000x128xf32>
    %rsqrt3A = math.rsqrt %max3A_6 : vector<1000x128xf32>
    %get3A_7 = arith.constant 0 : index
    %get3A_8 = arith.constant 0 : index
    %get3A_9 = vector.load %arg3[%get3A_7, %get3A_8] : memref<1000x128xf32, #tpu.memory_space<vmem>>, vector<1000x128xf32>
    %get3A_10 = arith.constant 0 : index
    %get3A_11 = arith.constant 0 : index
    %get3A_12 = vector.load %arg4[%get3A_10, %get3A_11] : memref<1000x128xf32, #tpu.memory_space<vmem>>, vector<1000x128xf32>
    %add3A_13 = arith.addf %get3A_9, %get3A_12 : vector<1000x128xf32>
    %max3A_14 = arith.constant 1.000000e+00 : f32
    %max3A_15 = vector.broadcast %max3A_14 : f32 to vector<1000x128xf32>
    %max3A_16 = arith.maximumf %add3A_13, %max3A_15 : vector<1000x128xf32>
    %rsqrt3A_17 = math.rsqrt %max3A_16 : vector<1000x128xf32>
    %swap3A = arith.constant 0 : index
    %swap3A_18 = arith.constant 0 : index
    %swap3A_19 = vector.load %arg7[%swap3A, %swap3A_18] : memref<1000x128xf32, #tpu.memory_space<vmem>>, vector<1000x128xf32>
    tpu.vector_store %arg7[%swap3A, %swap3A_18], %rsqrt3A {strides = array<i32>} : memref<1000x128xf32, #tpu.memory_space<vmem>>, vector<1000x128xf32>,
    %swap3A_20 = arith.constant 0 : index
    %swap3A_21 = arith.constant 0 : index
    %swap3A_22 = vector.load %arg8[%swap3A_20, %swap3A_21] : memref<1000x128xf32, #tpu.memory_space<vmem>>, vector<1000x128xf32>
    tpu.vector_store %arg8[%swap3A_20, %swap3A_21], %rsqrt3A_17 {strides = array<i32>} : memref<1000x128xf32, #tpu.memory_space<vmem>>, vector<1000x128xf32>,
    %get3A_23 = arith.constant 0 : index
    %get3A_24 = arith.constant 0 : index
    %get3A_25 = vector.load %arg5[%get3A_23, %get3A_24] : memref<1000x128xf32, #tpu.memory_space<vmem>>, vector<1000x128xf32>
    %slice3A = vector.extract_strided_slice %rsqrt3A {offsets = [0, 0], sizes = [1000, 1], strides = [1, 1]} : vector<1000x128xf32> to vector<1000x1xf32>
    %mul3A = vector.broadcast %slice3A : vector<1000x1xf32> to vector<1000x128xf32>
    %mul3A_26 = arith.mulf %get3A_25, %mul3A : vector<1000x128xf32>
    %swap3A_27 = arith.constant 0 : index
    %swap3A_28 = arith.constant 0 : index
    %swap3A_29 = vector.load %arg6[%swap3A_27, %swap3A_28] : memref<1000x128xf32, #tpu.memory_space<vmem>>, vector<1000x128xf32>
    tpu.vector_store %arg6[%swap3A_27, %swap3A_28], %mul3A_26 {strides = array<i32>} : memref<1000x128xf32, #tpu.memory_space<vmem>>, vector<1000x128xf32>,
    return
  }
  func.func @transform_0(%arg0: i32) -> (i32, i32) {
    %c0_i32 = arith.constant 0 : i32
    %c0_i32_0 = arith.constant 0 : i32
    return %arg0, %c0_i32 : i32, i32
  }
  func.func @transform_1(%arg0: i32) -> (i32, i32) {
    %c0_i32 = arith.constant 0 : i32
    %c0_i32_0 = arith.constant 0 : i32
    return %arg0, %c0_i32 : i32, i32
  }
  func.func @transform_2(%arg0: i32) -> (i32, i32) {
    %c0_i32 = arith.constant 0 : i32
    %c0_i32_0 = arith.constant 0 : i32
    return %arg0, %c0_i32 : i32, i32
  }
  func.func @transform_3(%arg0: i32) -> (i32, i32) {
    %c0_i32 = arith.constant 0 : i32
    %c0_i32_0 = arith.constant 0 : i32
    return %arg0, %c0_i32 : i32, i32
  }
  func.func @transform_4(%arg0: i32) -> (i32, i32) {
    %c0_i32 = arith.constant 0 : i32
    %c0_i32_0 = arith.constant 0 : i32
    return %arg0, %c0_i32 : i32, i32
  }
  func.func @transform_5(%arg0: i32) -> (i32, i32) {
    %c0_i32 = arith.constant 0 : i32
    %c0_i32_0 = arith.constant 0 : i32
    return %arg0, %c0_i32 : i32, i32
  }
  func.func @transform_6(%arg0: i32) -> (i32, i32) {
    %c0_i32 = arith.constant 0 : i32
    %c0_i32_0 = arith.constant 0 : i32
    return %arg0, %c0_i32 : i32, i32
  }
  func.func @transform_7(%arg0: i32) -> (i32, i32) {
    %c0_i32 = arith.constant 0 : i32
    %c0_i32_0 = arith.constant 0 : i32
    return %arg0, %c0_i32 : i32, i32
  }
}

module attributes {stable_mosaic.version = 14 : i64} {
  func.func @_mid_body(%arg0: i32, %arg1: memref<1000x128xf32, #tpu.memory_space<vmem>>, %arg2: memref<1000x128xf32, #tpu.memory_space<vmem>>, %arg3: memref<1000x128xf32, #tpu.memory_space<vmem>>, %arg4: memref<1000x128xf32, #tpu.memory_space<vmem>>, %arg5: memref<128x256xf32, #tpu.memory_space<vmem>>, %arg6: memref<256xf32, #tpu.memory_space<vmem>>, %arg7: memref<256x128xf32, #tpu.memory_space<vmem>>, %arg8: memref<1000x128xf32, #tpu.memory_space<vmem>>) attributes {dimension_semantics = [#tpu.dimension_semantics<arbitrary>], iteration_bounds = array<i64: 10>, scalar_prefetch = 0 : i64, scratch_operands = 0 : i64, tpu.core_type = #tpu.core_type<tc>, window_params = [{transform_indices = @transform_0, window_bounds = array<i64: 1000, 128>}, {transform_indices = @transform_1, window_bounds = array<i64: 1000, 128>}, {transform_indices = @transform_2, window_bounds = array<i64: 1000, 128>}, {transform_indices = @transform_3, window_bounds = array<i64: 1000, 128>}, {pipeline_mode = #tpu.pipeline_mode<synchronous>, transform_indices = @transform_4, window_bounds = array<i64: 128, 256>}, {pipeline_mode = #tpu.pipeline_mode<synchronous>, transform_indices = @transform_5, window_bounds = array<i64: 256>}, {pipeline_mode = #tpu.pipeline_mode<synchronous>, transform_indices = @transform_6, window_bounds = array<i64: 256, 128>}, {transform_indices = @transform_7, window_bounds = array<i64: 1000, 128>}]} {
    %get3A = arith.constant 0 : index
    %get3A_0 = arith.constant 0 : index
    %get3A_1 = vector.load %arg1[%get3A, %get3A_0] : memref<1000x128xf32, #tpu.memory_space<vmem>>, vector<1000x128xf32>
    %get3A_2 = arith.constant 0 : index
    %get3A_3 = arith.constant 0 : index
    %get3A_4 = vector.load %arg2[%get3A_2, %get3A_3] : memref<1000x128xf32, #tpu.memory_space<vmem>>, vector<1000x128xf32>
    %add3A = arith.addf %get3A_1, %get3A_4 : vector<1000x128xf32>
    %get3A_5 = arith.constant 0 : index
    %get3A_6 = arith.constant 0 : index
    %get3A_7 = vector.load %arg3[%get3A_5, %get3A_6] : memref<1000x128xf32, #tpu.memory_space<vmem>>, vector<1000x1xf32>
    %mul3A = vector.broadcast %get3A_7 : vector<1000x1xf32> to vector<1000x128xf32>
    %mul3A_8 = arith.mulf %add3A, %mul3A : vector<1000x128xf32>
    %get3A_9 = arith.constant 0 : index
    %get3A_10 = arith.constant 0 : index
    %get3A_11 = vector.load %arg5[%get3A_9, %get3A_10] : memref<128x256xf32, #tpu.memory_space<vmem>>, vector<128x256xf32>
    %dot_general3A = arith.constant dense<0.000000e+00> : vector<1000x256xf32>
    %dot_general3A_12 = tpu.matmul %mul3A_8, %get3A_11, %dot_general3A {dimension_numbers = #tpu.dot_dimension_numbers<[1], [0], [0], [1], [0, 0, 1, 1], [], []>, transpose_lhs_hint = false} : vector<1000x128xf32>, vector<128x256xf32>, vector<1000x256xf32> -> vector<1000x256xf32>
    %get3A_13 = arith.constant 0 : index
    %get3A_14 = vector.load %arg6[%get3A_13] : memref<256xf32, #tpu.memory_space<vmem>>, vector<256xf32>
    %broadcast_in_dim3A = vector.shape_cast %get3A_14 : vector<256xf32> to vector<1x256xf32>
    %add3A_15 = vector.broadcast %broadcast_in_dim3A : vector<1x256xf32> to vector<1000x256xf32>
    %add3A_16 = arith.addf %dot_general3A_12, %add3A_15 : vector<1000x256xf32>
    %max3A = arith.constant 0.000000e+00 : f32
    %max3A_17 = vector.broadcast %max3A : f32 to vector<1000x256xf32>
    %max3A_18 = arith.maximumf %add3A_16, %max3A_17 : vector<1000x256xf32>
    %get3A_19 = arith.constant 0 : index
    %get3A_20 = arith.constant 0 : index
    %get3A_21 = vector.load %arg7[%get3A_19, %get3A_20] : memref<256x128xf32, #tpu.memory_space<vmem>>, vector<256x128xf32>
    %dot_general3A_22 = arith.constant dense<0.000000e+00> : vector<1000x128xf32>
    %dot_general3A_23 = tpu.matmul %max3A_18, %get3A_21, %dot_general3A_22 {dimension_numbers = #tpu.dot_dimension_numbers<[1], [0], [0], [1], [0, 0, 1, 1], [], []>, transpose_lhs_hint = false} : vector<1000x256xf32>, vector<256x128xf32>, vector<1000x128xf32> -> vector<1000x128xf32>
    %get3A_24 = arith.constant 0 : index
    %get3A_25 = arith.constant 0 : index
    %get3A_26 = vector.load %arg4[%get3A_24, %get3A_25] : memref<1000x128xf32, #tpu.memory_space<vmem>>, vector<1000x1xf32>
    %mul3A_27 = vector.broadcast %get3A_26 : vector<1000x1xf32> to vector<1000x128xf32>
    %mul3A_28 = arith.mulf %dot_general3A_23, %mul3A_27 : vector<1000x128xf32>
    %swap3A = arith.constant 0 : index
    %swap3A_29 = arith.constant 0 : index
    %swap3A_30 = vector.load %arg8[%swap3A, %swap3A_29] : memref<1000x128xf32, #tpu.memory_space<vmem>>, vector<1000x128xf32>
    tpu.vector_store %arg8[%swap3A, %swap3A_29], %mul3A_28 {strides = array<i32>} : memref<1000x128xf32, #tpu.memory_space<vmem>>, vector<1000x128xf32>,
    return
  }
  func.func @transform_0(%arg0: i32) -> (i32, i32) {
    %c0_i32 = arith.constant 0 : i32
    %c0_i32_0 = arith.constant 0 : i32
    return %arg0, %c0_i32 : i32, i32
  }
  func.func @transform_1(%arg0: i32) -> (i32, i32) {
    %c0_i32 = arith.constant 0 : i32
    %c0_i32_0 = arith.constant 0 : i32
    return %arg0, %c0_i32 : i32, i32
  }
  func.func @transform_2(%arg0: i32) -> (i32, i32) {
    %c0_i32 = arith.constant 0 : i32
    %c0_i32_0 = arith.constant 0 : i32
    return %arg0, %c0_i32 : i32, i32
  }
  func.func @transform_3(%arg0: i32) -> (i32, i32) {
    %c0_i32 = arith.constant 0 : i32
    %c0_i32_0 = arith.constant 0 : i32
    return %arg0, %c0_i32 : i32, i32
  }
  func.func @transform_4(%arg0: i32) -> (i32, i32) {
    %c0_i32 = arith.constant 0 : i32
    %c0_i32_0 = arith.constant 0 : i32
    %c0_i32_1 = arith.constant 0 : i32
    return %c0_i32, %c0_i32_0 : i32, i32
  }
  func.func @transform_5(%arg0: i32) -> i32 {
    %c0_i32 = arith.constant 0 : i32
    %c0_i32_0 = arith.constant 0 : i32
    return %c0_i32 : i32
  }
  func.func @transform_6(%arg0: i32) -> (i32, i32) {
    %c0_i32 = arith.constant 0 : i32
    %c0_i32_0 = arith.constant 0 : i32
    %c0_i32_1 = arith.constant 0 : i32
    return %c0_i32, %c0_i32_0 : i32, i32
  }
  func.func @transform_7(%arg0: i32) -> (i32, i32) {
    %c0_i32 = arith.constant 0 : i32
    %c0_i32_0 = arith.constant 0 : i32
    return %arg0, %c0_i32 : i32, i32
  }
}

module attributes {stable_mosaic.version = 14 : i64} {
  func.func @_final_body(%arg0: i32, %arg1: memref<1000x128xf32, #tpu.memory_space<vmem>>, %arg2: memref<1000x128xf32, #tpu.memory_space<vmem>>, %arg3: memref<1000x128xf32, #tpu.memory_space<vmem>>, %arg4: memref<128xf32, #tpu.memory_space<vmem>>, %arg5: memref<1000x128xf32, #tpu.memory_space<vmem>>) attributes {dimension_semantics = [#tpu.dimension_semantics<arbitrary>], iteration_bounds = array<i64: 10>, scalar_prefetch = 0 : i64, scratch_operands = 0 : i64, tpu.core_type = #tpu.core_type<tc>, window_params = [{transform_indices = @transform_0, window_bounds = array<i64: 1000, 128>}, {transform_indices = @transform_1, window_bounds = array<i64: 1000, 128>}, {transform_indices = @transform_2, window_bounds = array<i64: 1000, 128>}, {pipeline_mode = #tpu.pipeline_mode<synchronous>, transform_indices = @transform_3, window_bounds = array<i64: 128>}, {transform_indices = @transform_4, window_bounds = array<i64: 1000, 128>}]} {
    %get3A = arith.constant 0 : index
    %get3A_0 = arith.constant 0 : index
    %get3A_1 = vector.load %arg1[%get3A, %get3A_0] : memref<1000x128xf32, #tpu.memory_space<vmem>>, vector<1000x128xf32>
    %get3A_2 = arith.constant 0 : index
    %get3A_3 = arith.constant 0 : index
    %get3A_4 = vector.load %arg2[%get3A_2, %get3A_3] : memref<1000x128xf32, #tpu.memory_space<vmem>>, vector<1000x128xf32>
    %add3A = arith.addf %get3A_1, %get3A_4 : vector<1000x128xf32>
    %get3A_5 = arith.constant 0 : index
    %get3A_6 = arith.constant 0 : index
    %get3A_7 = vector.load %arg3[%get3A_5, %get3A_6] : memref<1000x128xf32, #tpu.memory_space<vmem>>, vector<1000x1xf32>
    %mul3A = vector.broadcast %get3A_7 : vector<1000x1xf32> to vector<1000x128xf32>
    %mul3A_8 = arith.mulf %add3A, %mul3A : vector<1000x128xf32>
    %get3A_9 = arith.constant 0 : index
    %get3A_10 = vector.load %arg4[%get3A_9] : memref<128xf32, #tpu.memory_space<vmem>>, vector<128xf32>
    %broadcast_in_dim3A = vector.shape_cast %get3A_10 : vector<128xf32> to vector<1x128xf32>
    %add3A_11 = vector.broadcast %broadcast_in_dim3A : vector<1x128xf32> to vector<1000x128xf32>
    %add3A_12 = arith.addf %mul3A_8, %add3A_11 : vector<1000x128xf32>
    %max3A = arith.constant 0.000000e+00 : f32
    %max3A_13 = vector.broadcast %max3A : f32 to vector<1000x128xf32>
    %max3A_14 = arith.maximumf %add3A_12, %max3A_13 : vector<1000x128xf32>
    %swap3A = arith.constant 0 : index
    %swap3A_15 = arith.constant 0 : index
    %swap3A_16 = vector.load %arg5[%swap3A, %swap3A_15] : memref<1000x128xf32, #tpu.memory_space<vmem>>, vector<1000x128xf32>
    tpu.vector_store %arg5[%swap3A, %swap3A_15], %max3A_14 {strides = array<i32>} : memref<1000x128xf32, #tpu.memory_space<vmem>>, vector<1000x128xf32>,
    return
  }
  func.func @transform_0(%arg0: i32) -> (i32, i32) {
    %c0_i32 = arith.constant 0 : i32
    %c0_i32_0 = arith.constant 0 : i32
    return %arg0, %c0_i32 : i32, i32
  }
  func.func @transform_1(%arg0: i32) -> (i32, i32) {
    %c0_i32 = arith.constant 0 : i32
    %c0_i32_0 = arith.constant 0 : i32
    return %arg0, %c0_i32 : i32, i32
  }
  func.func @transform_2(%arg0: i32) -> (i32, i32) {
    %c0_i32 = arith.constant 0 : i32
    %c0_i32_0 = arith.constant 0 : i32
    return %arg0, %c0_i32 : i32, i32
  }
  func.func @transform_3(%arg0: i32) -> i32 {
    %c0_i32 = arith.constant 0 : i32
    %c0_i32_0 = arith.constant 0 : i32
    return %c0_i32 : i32
  }
  func.func @transform_4(%arg0: i32) -> (i32, i32) {
    %c0_i32 = arith.constant 0 : i32
    %c0_i32_0 = arith.constant 0 : i32
    return %arg0, %c0_i32 : i32, i32
  }
}

</mosaic_0001>

<sc_bundles>
// kernel: kernel.12.cloned.1.call-start
scs
__scs_entry_jumppad:
0x0: {  	(pc) =	sbr.rel $0x88, $3  }
0x1: {  	(tag) =	ssettag $0x0;
	lr =	simm.s32 $0x1  }
0x2: {  	[smem:$0x3F9B] =	sst lr;
	_ =	strace $0xD0000000  }
0x3: {  	_ = 	snop  }
0x4: {  	_ = 	snop  }
0x5: {  	_ = 	snop  }
0x6: {  	_ = 	snop  }
0x7: {  	_ = 	snop  }
__scs_overlays_trampoline_lowered:
0x8: {  	[smem:$0x3FAA] =	sst s0  }
0x9: {  	[smem:$0x3FAB] =	sst s1  }
0xa: {  	[smem:$0x3FAC] =	sst s2  }
0xb: {  	[smem:$0x3FAD] =	sst s3  }
0xc: {  	[smem:$0x3FAE] =	sst s4  }
0xd: {  	[smem:$0x3FAF] =	sst s5  }
0xe: {  	[smem:$0x3FB0] =	sst s6  }
0xf: {  	[smem:$0x3FB1] =	sst s7  }
0x10: {  	[smem:$0x3FB2] =	sst s8  }
0x11: {  	[smem:$0x3FB3] =	sst s9;
	s0 =	simm.s32 @!p0 $0x0  }
0x12: {  	s1 =	sld [smem:$0x3F99];
	s0 =	simm.s32 @p0 $0x1  }
0x13: {  	[smem:$0x3FB4] =	sst s0;
	s0 =	simm.s32 @!p1 $0x0  }
0x14: {  	s2 =	sld [smem:$0x3F98];
	s0 =	simm.s32 @p1 $0x1  }
0x15: {  	[smem:$0x3FB5] =	sst s0;
	s0 =	simm.s32 @!p2 $0x0  }
0x16: {  	s3 =	sld [smem:$0x3FDB];
	s0 =	simm.s32 @p2 $0x1  }
0x17: {  	s4 =	simm.s32 $0x1BF5;
	[smem:$0x3FB7] =	sst s0  }
0x18: {  	s0 =	sld [smem:$0x3F9A];
	_ =	swait.ge [sflag:s4], $0x0  }
0x19: {  	s7 =	sld [smem:$0x3F9B]  }
0x1a: {  	s8 =	sadd.s32 $0xFFFFE003, lr  }
0x1b: {  	s9 =	sadd.s32 $0xFFFFFEF7, lr;
	s5 =	simm.s32 $0xFFFFFFFF;
	p2 =	slt.u32 s8, $0xFFFFF086  }
0x1c: {  	p1 =	slt.u32 s9, $0xF7A;
	s5 =	simm.s32 @!p2 $0x0  }
0x1d: {  	s5 =	simm.s32 @p1 $0x1;
	p0 =	seq.s32 s7, s2  }
0x1e: {  	s7 =	smul.u32 @!p0 $0xF7A, s2;
	p2 =	seq.s32 @!p0 s5, $0x0  }
0x1f: {  	s9 =	smul.u32 $0xF7A, s1;
	s8 =	simm.s32 @!p0 $0x1BF5;
	p2 =	por !p2, p0  }
0x20: {  	[sflag:s8] =	ssyncset.s32 @!p0 $0xFFFFF086;
	s6 =	sadd.s32 @!p0 s3, s7;
	s7 =	simm.s32 @!p0 $0x108  }
0x21: {  	s3 =	sadd.s32 s3, s9;
	s6 =	sadd.s32 @!p0 $0x88, s6;
	s7 =	simm.s32 @p2 $0x1082  }
0x22: {  	[simem:s7], [sflag:s8] =	dma.local @!p0 [hbm:s6], $0xF7A  }
0x23: {  	s9 =	sor.u32 $0xD0000000, s2;
	s6 =	simm.s32 $0x108;
	_ =	swait.ge @!p0 [sflag:s8], $0x0  }
0x24: {  	s3 =	sadd.s32 $0x88, s3;
	s6 =	simm.s32 @!p1 $0x1082;
	[sflag:s4] =	ssyncset.s32 $0xFFFFF086  }
0x25: {  	[simem:s6], [sflag:s4] =	dma.local [hbm:s3], $0xF7A  }
0x26: {  	[smem:$0x3F9B] =	sst s1;
	(tag) =	ssettag s2;
	_ =	strace s9  }
0x27: {  	s1 =	sld [smem:$0x3FAB]  }
0x28: {  	s2 =	sld [smem:$0x3FAC]  }
0x29: {  	s4 =	sld [smem:$0x3FAE]  }
0x2a: {  	p0 =	seq.s32 s5, $0x0;
	s5 =	sld [smem:$0x3FAF]  }
0x2b: {  	s6 =	sld [smem:$0x3FB0]  }
0x2c: {  	s7 =	sld [smem:$0x3FB1]  }
0x2d: {  	s3 =	simm.s32 $0x108;
	s8 =	sld [smem:$0x3FB2]  }
0x2e: {  	s3 =	simm.s32 @!p0 $0x1082;
	s9 =	sld [smem:$0x3FB3]  }
0x2f: {  	lr =	sadd.s32 s0, s3;
	s0 =	sld [smem:$0x3FAA]  }
0x30: {  	s3 =	sld [smem:$0x3FAD]  }
0x31: {  	[smem:$0x3FB6] =	sst s10  }
0x32: {  	s10 =	sld [smem:$0x3FB4];
	_ =	sdelay $0x3  }
0x33: {  	p0 =	seq.s32 s10, $0x1;
	s10 =	sld [smem:$0x3FB6];
	_ =	sdelay $0x3  }
0x34: {  	[smem:$0x3FB6] =	sst s10  }
0x35: {  	s10 =	sld [smem:$0x3FB5];
	_ =	sdelay $0x3  }
0x36: {  	p1 =	seq.s32 s10, $0x1;
	s10 =	sld [smem:$0x3FB6];
	_ =	sdelay $0x3  }
0x37: {  	[smem:$0x3FB6] =	sst s10  }
0x38: {  	s10 =	sld [smem:$0x3FB7]  }
0x39: {  	_ = 	snop;
	(pc) =	sbr.ind lr, $3  }
0x3a: {  	_ = 	snop  }
0x3b: {  	_ = 	snop  }
0x3c: {  	p2 =	seq.s32 s10, $0x1;
	s10 =	sld [smem:$0x3FB6]  }
0x3d: {  	_ =	shalt  }
0x3e: {  	_ =	shalt  }
0x3f: {  	_ =	shalt  }
0x40: {  	_ =	shalt  }
0x41: {  	_ =	shalt  }
0x42: {  	_ =	shalt  }
0x43: {  	_ =	shalt  }
0x44: {  	_ =	shalt  }
0x45: {  	_ =	shalt  }
0x46: {  	_ =	shalt  }
0x47: {  	_ =	shalt  }
0x48: {  	_ =	shalt  }
0x49: {  	_ =	shalt  }
0x4a: {  	_ =	shalt  }
0x4b: {  	_ =	shalt  }
0x4c: {  	_ =	shalt  }
0x4d: {  	_ =	shalt  }
0x4e: {  	_ =	shalt  }
0x4f: {  	_ =	shalt  }
0x50: {  	_ =	shalt  }
0x51: {  	_ =	shalt  }
0x52: {  	_ =	shalt  }
0x53: {  	_ =	shalt  }
0x54: {  	_ =	shalt  }
0x55: {  	_ =	shalt  }
0x56: {  	_ =	shalt  }
0x57: {  	_ =	shalt  }
0x58: {  	_ =	shalt  }
0x59: {  	_ =	shalt  }
0x5a: {  	_ =	shalt  }
0x5b: {  	_ =	shalt  }
0x5c: {  	_ =	shalt  }
0x5d: {  	_ =	shalt  }
0x5e: {  	_ =	shalt  }
0x5f: {  	_ =	shalt  }
0x60: {  	_ =	shalt  }
0x61: {  	_ =	shalt  }
0x62: {  	_ =	shalt  }
0x63: {  	_ =	shalt  }
0x64: {  	_ =	shalt  }
0x65: {  	_ =	shalt  }
0x66: {  	_ =	shalt  }
0x67: {  	_ =	shalt  }
0x68: {  	_ =	shalt  }
0x69: {  	_ =	shalt  }
0x6a: {  	_ =	shalt  }
0x6b: {  	_ =	shalt  }
0x6c: {  	_ =	shalt  }
0x6d: {  	_ =	shalt  }
0x6e: {  	_ =	shalt  }
0x6f: {  	_ =	shalt  }
0x70: {  	_ =	shalt  }
0x71: {  	_ =	shalt  }
0x72: {  	_ =	shalt  }
0x73: {  	_ =	shalt  }
0x74: {  	_ =	shalt  }
0x75: {  	_ =	shalt  }
0x76: {  	_ =	shalt  }
0x77: {  	_ =	shalt  }
0x78: {  	_ =	shalt  }
0x79: {  	_ =	shalt  }
0x7a: {  	_ =	shalt  }
0x7b: {  	_ =	shalt  }
0x7c: {  	_ =	shalt  }
0x7d: {  	_ =	shalt  }
0x7e: {  	_ =	shalt  }
0x7f: {  	_ =	shalt  }
0x80: {  	_ =	shalt  }
0x81: {  	_ =	shalt  }
0x82: {  	_ =	shalt  }
0x83: {  	_ =	shalt  }
0x84: {  	_ =	shalt  }
0x85: {  	_ =	shalt  }
0x86: {  	_ =	shalt  }
0x87: {  	_ =	shalt  }
.Lfunc_end0:
.L_simem_size_0:
called_computation.1_lowered:
.L_overlay_start_0:
0x88: {  	s2 =	sld [smem:$0x3FD9]  }
0x89: {  	s3 =	sld [smem:$0x3FFE];
	_ =	sdelay $0x1  }
0x8a: {  	s1 =	srdreg.scid  }
0x8b: {  	s0 =	sand.u32 $0x1, s1  }
0x8c: {  	s17 =	sshll.u32 s0, $0xA;
	s2 =	sadd.s32 s3, s2  }
0x8d: {  	s2 =	sadd.s32 s2, s17  }
0x8e: {  	[smem:$0x3FC2] =	sst s2  }
0x8f: {  	_ = 	snop  }
0x90: {  	s18 =	sld [smem:$0x3FD0];
	(tm) =	ssettm $0x1  }
0x91: {  	s19 =	sld [smem:$0x3FFB];
	_ =	sdelay $0x3  }
0x92: {  	_ =	strace s19  }
0x93: {  	s2 =	sld [smem:$0x3FFC];
	_ =	sdelay $0x3  }
0x94: {  	_ =	strace s2  }
0x95: {  	s2 =	sld [smem:$0x3FFD];
	_ =	sdelay $0x3  }
0x96: {  	_ =	strace s2  }
0x97: {  	_ =	strace $0x8FFFFFFF  }
0x98: {  	s20 =	sld [smem:$0x3FDB];
	_ =	sdelay $0x1  }
0x99: {  	s4 =	simm.s32 $_scs_section_size  }
0x9a: {  	s5 =	simm.s32 $_size__tile_overlayer_lowered;
	s6 =	simm.s32 $_tile_overlayer_lowered  }
0x9b: {  	s7 =	simm.s32 $0x1BFF;
	s21 =	sshll.u32 s6, $0x1;
	s4 =	sadd.s32 s4, s20  }
0x9c: {  	s22 =	simm.s32 $0x0;
	s5 =	sshll.u32 s5, $0x1;
	s6 =	sadd.s32 s21, s4  }
0x9d: {  	[timem:s22], [sflag:s7] =	dma.local [hbm:s6], s5  }
0x9e: {  	_ =	swait.ge [sflag:s7], s5  }
0x9f: {  	s5 =	ssub.s32 $0x0, s5;
	[sflag:s7] =	ssyncset.done $0x0  }
0xa0: {  	[sflag:s7] =	ssyncadd.s32 s5;
	_ =	sdelay $0x1  }
0xa1: {  	s23 =	simm.s32 $0x1B8B  }
0xa2: {  	_ =	swait.ge [sflag:s23], $0x1  }
0xa3: {  	[sflag:s23] =	ssyncset.done $0x0  }
0xa4: {  	[sflag:s23] =	ssyncadd.s32 $0xFFFFFFFF  }
0xa5: {  	s5 =	sld [smem:$0x0]  }
0xa6: {  	s6 =	sand.u32 $0xFFFFFFFE, s1  }
0xa7: {  	p0 =	sne.s32 s1, s6  }
0xa8: {  	s6 =	sshll.u32 @p0 s6, $0xE  }
0xa9: {  	s6 =	sadd.s32 @p0 $0x11B8D, s6;
	s7 =	sshll.u32 @p0 s5, $0x11  }
0xaa: {  	s6 =	sor.u32 @p0 s7, s6  }
0xab: {  	[sflag:s6] =	ssyncadd.remote.s32 @p0 $0x1;
	_ =	sdelay $0x1  }
0xac: {  	s6 =	simm.s32 @p0 $0x1B8D  }
0xad: {  	_ =	swait.eq @p0 [sflag:s6], $0x1  }
0xae: {  	[sflag:s6] =	ssyncadd.s32 @p0 $0xFFFFFFFF  }
0xaf: {  	s7 =	sshll.u32 @!p0 s1, $0xE  }
0xb0: {  	s7 =	sor.u32 @!p0 $0x4000, s7;
	s6 =	simm.s32 @!p0 $0x1B8D  }
0xb1: {  	s5 =	sshll.u32 @!p0 s5, $0x11;
	s7 =	sadd.s32 @!p0 $0x11B8D, s7;
	_ =	swait.eq @!p0 [sflag:s6], $0x1  }
0xb2: {  	s5 =	sor.u32 @!p0 s5, s7;
	[sflag:s6] =	ssyncadd.s32 @!p0 $0xFFFFFFFF  }
0xb3: {  	s25 =	simm.s32 $0x1B8E;
	s24 =	sld [smem:$0x3FFE];
	[sflag:s5] =	ssyncadd.remote.s32 @!p0 $0x1  }
0xb4: {  	s26 =	simm.s32 $execute0_lowered;
	[smem:$0x3FD2] =	sst s25  }
0xb5: {  	s6 =	sshll.u32 s26, $0x1;
	_ =	strace $0x80000049;
	[dreg:$0x1] =	wrdreg $0xFFFFFFFF  }
0xb6: {  	s28 =	simm.s32 $_size_execute0_lowered;
	s4 =	sadd.s32 s4, s6;
	[dreg:$0x0] =	wrdreg $0x0  }
0xb7: {  	s6 =	sshll.u32 s28, $0x1;
	[dreg:$0x2] =	wrdreg s4  }
0xb8: {  	[dreg:$0x3] =	wrdreg s6  }
0xb9: {  	[dreg:$0x4] =	wrdreg $0xC0  }
0xba: {  	_ =	task [dreg:s22], $0x5FFFF  }
0xbb: {  	[dreg:$0x1] =	wrdreg $0xFFFFFFFF  }
0xbc: {  	[dreg:$0x0] =	wrdreg $0x60  }
0xbd: {  	[dreg:$0x2] =	wrdreg s24  }
0xbe: {  	[dreg:$0x3] =	wrdreg s18  }
0xbf: {  	[dreg:$0x4] =	wrdreg $0x68000  }
0xc0: {  	[dreg:$0x5] =	wrdreg $0xA  }
0xc1: {  	_ =	task.clear_ibuf [dreg:s22], $0x6FFFF;
	_ =	strace $0x90000049  }
0xc2: {  	s29 =	simm.s32 $0xA;
	_ =	strace $0x8000004B  }
0xc3: {  	_ =	swait.ge [sflag:s29], $0x1  }
0xc4: {  	[sflag:s29] =	ssyncadd.s32 $0xFFFFFFFF  }
0xc5: {  	_ =	strace $0x9000004B  }
0xc6: {  	_ =	sfence  }
0xc7: {  	s30 =	sld [smem:$0x0];
	_ =	sdelay $0x2  }
0xc8: {  	s31 =	sshll.u32 s1, $0xD;
	s1 =	sshrl.u32 s1, $0x2  }
0xc9: {  	s4 =	sand.u32 $0x4000, s31;
	s1 =	sadd.s32 s1, s30  }
0xca: {  	s0 =	sor.u32 s4, s0;
	s1 =	sshll.u32 s1, $0x11  }
0xcb: {  	s0 =	sor.u32 s1, s0  }
0xcc: {  	s0 =	sadd.s32 $0x8F2B, s0  }
0xcd: {  	[sflag:s0] =	ssyncadd.remote.s32 $0x1  }
0xce: {  	_ =	sfence.sel $0xFFFF  }
0xcf: {  	[dreg:$0x0] =	wrdreg $0xFFFFFFFF;
	(pc) =	sbr.abs _section_cstart, $3  }
0xd0: {  	[dreg:$0x1] =	wrdreg $0xFFFFFFFF  }
0xd1: {  	_ =	task.clear_ibuf [dreg:s22], $0x2FFFF;
	_ =	strace $0x9FFFFFFF  }
0xd2: {  	(tm) =	ssettm $0x7FFFFFFF  }
0xd3: {  	_ =	shalt  }
tec
execute0_lowered:
.L_overlay_start_1:
0x0: {  	(tag) =	ssettag $0x1  }
0x1: {  	s6 =	rddreg [dreg:$0x0]  }
0x2: {  	s1 =	srdreg.scid;
	s2 =	rddreg [dreg:$0x1]  }
0x3: {  	s0 =	stileid.u32;
	s3 =	rddreg [dreg:$0x2]  }
0x4: {  	s4 =	simm.s32 $0x0;
	s13 =	simm.s32 $0x7D;
	s14 =	simm.s32 $0x0  }
0x5: {  	s7 =	sand.u32 $0x1, s1;
	s26 =	sshll.u32 s0, $0x1;
	s8 =	smul.u32 $0x2700, s0  }
0x6: {  	[smem:$0x7FF] =	sst s4;
	s11 =	smul.u32 $0x4E000, s0;
	s31 =	sshll.u32 s0, $0x6  }
0x7: {  	s1 =	sor.u32 s7, s26;
	s9 =	smul.u32 $0x27100, s7;
	s7 =	ssub.s32 $0x2, s7  }
0x8: {  	s5 =	smul.u32 $0x500, s1;
	s1 =	rddreg [dreg:$0x3];
	_ =	strace $0x8000004A  }
0x9: {  	s28 =	sshrl.u32 s7, $0x1;
	s29 =	sshrl.u32 s11, $0x2;
	s11 =	simm.s32 $0x1  }
0xa: {  	s8 =	sadd.s32 s8, s9;
	s30 =	ssub.s32 s7, s28;
	s12 =	sadd.s32 s29, s3  }
0xb: {  	s10 =	sadd.s32 s5, s6;
	s5 =	sadd.s32 $0xBE00, s6;
	s8 =	sadd.s32 s8, s6  }
0xc: {  	s6 =	sor.u32 $0x1C01, s31;
	s9 =	smax.u32 s30, $0x1;
	s7 =	sadd.s32 $0x5C800, s10  }
0xd: {  	s8 =	sadd.s32 $0x66800, s8;
	s10 =	sshrl.u32 s12, $0x3;
	s12 =	simm.s32 $0x2800  }
.LBB2_1:
0xe: {  	[spmem:s10], [sflag:s6] =	dma.local [hbm:s5], $0x2800  }
0xf: {  	_ =	swait.ge [sflag:s11], $0x2800  }
0x10: {  	[sflag:s11] =	ssyncset.done $0x0  }
0x11: {  	[sflag:s11] =	ssyncadd.s32 $0xFFFFD800  }
0x12: {  	[tilespmem:s4], [sflag:$0x1] =	stream.linear.gather [hbm4b:s7+s4], $0x2800, $0x38;
	[tilespmem:$0x1A080] =	vst v63  }
0x13: {  	_ =	swait.ge [sflag:s11], $0x2800  }
0x14: {  	[sflag:s11] =	ssyncset.done $0x0  }
0x15: {  	[sflag:s11] =	ssyncadd.s32 $0xFFFFD800  }
0x16: {  	[tilespmem:s12], [sflag:$0x1] =	stream.linear.gather [hbm4b:s2+s4], $0x3E80, $0x38;
	[tilespmem:$0x1A080] =	vst v63  }
0x17: {  	_ =	swait.ge [sflag:s11], $0x3E80  }
0x18: {  	[sflag:s11] =	ssyncset.done $0x0  }
0x19: {  	[sflag:s11] =	ssyncadd.s32 $0xFFFFC180  }
0x1a: {  	s15 =	simm.s32 $0x0;
	[bflag:$0x0] =	sbarrier.arrive $0xFFFF  }
0x1b: {  	[spmem:s3] =	stream.indirect.scatter.add.f32 [tilespmem:s12], [sflag:$0x1], $0x80, s15, s13, $0xb8;
	[tilespmem:$0x1A080] =	vst v63  }
0x1c: {  	_ =	swait.ge [sflag:s11], $0x3E80  }
0x1d: {  	s15 =	simm.s32 $0x200;
	[sflag:s11] =	ssyncset.done $0x0  }
.LBB2_2:
0x1e: {  	s16 =	sshra.s32 s15, $0x2;
	[sflag:s11] =	ssyncadd.s32 $0xFFFFC180;
	p0 =	sne.s32 s15, $0x9E00  }
0x1f: {  	[spmem:s3] =	stream.indirect.scatter.add.f32 [tilespmem:s12], [sflag:$0x1], $0x80, s16, s13, $0xb8;
	[tilespmem:$0x1A080] =	vst v63  }
.Ltmp0:
0x20: {  	_ = 	snop;
	(pc) =	sbr.rel @p0 .LBB2_2-.Ltmp0, $4  }
0x21: {  	_ = 	snop  }
0x22: {  	s15 =	sadd.s32 $0x200, s15  }
0x23: {  	_ =	swait.ge [sflag:s11], $0x3E80  }
0x24: {  	[sflag:s11] =	ssyncset.done $0x0  }
0x25: {  	s14 =	sadd.s32 $0x1, s14  }
0x26: {  	[sflag:s11] =	ssyncadd.s32 $0xFFFFC180;
	p0 =	sne.s32 s14, s9  }
.Ltmp1:
0x27: {  	[bflag:$0x0] =	sbarrier.arrive $0xFFFF;
	(pc) =	sbr.rel @p0 .LBB2_1-.Ltmp1, $4  }
0x28: {  	[hbm:s8], [sflag:s6] =	dma.local [spmem:s10], $0x2800  }
0x29: {  	_ =	swait.ge [sflag:s11], $0x2800  }
0x2a: {  	[sflag:s11] =	ssyncset.done $0x0  }
0x2b: {  	[sflag:s11] =	ssyncadd.s32 $0xFFFFD800  }
0x2c: {  	_ =	sfence.sel $0x180000  }
0x2d: {  	[bflag:$0x0] =	sbarrier.arrive $0xFFFF  }
0x2e: {  	p0 =	sne.s32 s0, $0x0;
	_ =	strace $0x9000004A  }
0x2f: {  	s0 =	sadd.s32 @!p0 $0x100000, s1;
	[bflag:$0x2] =	sbarrier.arrive $0xFFFF  }
0x30: {  	[sflag:s0] =	ssyncadd.tile.s32 @!p0 $0x1;
	_ =	shalt  }
.Lfunc_end2:
_tile_overlayer_lowered:
.L_overlay_start_2:
0x31: {  	(tag) =	ssettag $0x2  }
0x32: {  	s0 =	rddreg [dreg:$0x0];
	s2 =	stileid.u32  }
0x33: {  	s1 =	rddreg [dreg:$0x1];
	p0 =	sne.s32 s2, $0x0  }
0x34: {  	s3 =	rddreg [dreg:$0x2];
	[bflag:$0x3] =	sbarrier.arrive $0xFFFF;
	s2 =	simm.s32 @!p0 $0x1C01  }
0x35: {  	[timem:s3], [sflag:s2] =	dma.local @!p0 [hbm:s0], s1  }
0x36: {  	s0 =	simm.s32 @!p0 $0x1  }
0x37: {  	_ =	swait.ge @!p0 [sflag:s0], s1  }
0x38: {  	s1 =	ssub.s32 @!p0 $0x0, s1;
	[sflag:s0] =	ssyncset.done @!p0 $0x0  }
0x39: {  	[sflag:s0] =	ssyncadd.s32 @!p0 s1  }
0x3a: {  	[bflag:$0x3] =	sbarrier.arrive $0xFFFF  }
0x3b: {  	_ =	shalt  }

// kernel: kernel.15.cloned.1.call-start
scs
__scs_entry_jumppad:
0x0: {  	(pc) =	sbr.rel $0x88, $3  }
0x1: {  	(tag) =	ssettag $0x0;
	lr =	simm.s32 $0x1  }
0x2: {  	[smem:$0x3F9B] =	sst lr;
	_ =	strace $0xD0000000  }
0x3: {  	_ = 	snop  }
0x4: {  	_ = 	snop  }
0x5: {  	_ = 	snop  }
0x6: {  	_ = 	snop  }
0x7: {  	_ = 	snop  }
__scs_overlays_trampoline_lowered:
0x8: {  	[smem:$0x3FAA] =	sst s0  }
0x9: {  	[smem:$0x3FAB] =	sst s1  }
0xa: {  	[smem:$0x3FAC] =	sst s2  }
0xb: {  	[smem:$0x3FAD] =	sst s3  }
0xc: {  	[smem:$0x3FAE] =	sst s4  }
0xd: {  	[smem:$0x3FAF] =	sst s5  }
0xe: {  	[smem:$0x3FB0] =	sst s6  }
0xf: {  	[smem:$0x3FB1] =	sst s7  }
0x10: {  	[smem:$0x3FB2] =	sst s8  }
0x11: {  	[smem:$0x3FB3] =	sst s9;
	s0 =	simm.s32 @!p0 $0x0  }
0x12: {  	s1 =	sld [smem:$0x3F99];
	s0 =	simm.s32 @p0 $0x1  }
0x13: {  	[smem:$0x3FB4] =	sst s0;
	s0 =	simm.s32 @!p1 $0x0  }
0x14: {  	s2 =	sld [smem:$0x3F98];
	s0 =	simm.s32 @p1 $0x1  }
0x15: {  	[smem:$0x3FB5] =	sst s0;
	s0 =	simm.s32 @!p2 $0x0  }
0x16: {  	s3 =	sld [smem:$0x3FDB];
	s0 =	simm.s32 @p2 $0x1  }
0x17: {  	s4 =	simm.s32 $0x1BF5;
	[smem:$0x3FB7] =	sst s0  }
0x18: {  	s0 =	sld [smem:$0x3F9A];
	_ =	swait.ge [sflag:s4], $0x0  }
0x19: {  	s7 =	sld [smem:$0x3F9B]  }
0x1a: {  	s8 =	sadd.s32 $0xFFFFE003, lr  }
0x1b: {  	s9 =	sadd.s32 $0xFFFFFEF7, lr;
	s5 =	simm.s32 $0xFFFFFFFF;
	p2 =	slt.u32 s8, $0xFFFFF086  }
0x1c: {  	p1 =	slt.u32 s9, $0xF7A;
	s5 =	simm.s32 @!p2 $0x0  }
0x1d: {  	s5 =	simm.s32 @p1 $0x1;
	p0 =	seq.s32 s7, s2  }
0x1e: {  	s7 =	smul.u32 @!p0 $0xF7A, s2;
	p2 =	seq.s32 @!p0 s5, $0x0  }
0x1f: {  	s9 =	smul.u32 $0xF7A, s1;
	s8 =	simm.s32 @!p0 $0x1BF5;
	p2 =	por !p2, p0  }
0x20: {  	[sflag:s8] =	ssyncset.s32 @!p0 $0xFFFFF086;
	s6 =	sadd.s32 @!p0 s3, s7;
	s7 =	simm.s32 @!p0 $0x108  }
0x21: {  	s3 =	sadd.s32 s3, s9;
	s6 =	sadd.s32 @!p0 $0x88, s6;
	s7 =	simm.s32 @p2 $0x1082  }
0x22: {  	[simem:s7], [sflag:s8] =	dma.local @!p0 [hbm:s6], $0xF7A  }
0x23: {  	s9 =	sor.u32 $0xD0000000, s2;
	s6 =	simm.s32 $0x108;
	_ =	swait.ge @!p0 [sflag:s8], $0x0  }
0x24: {  	s3 =	sadd.s32 $0x88, s3;
	s6 =	simm.s32 @!p1 $0x1082;
	[sflag:s4] =	ssyncset.s32 $0xFFFFF086  }
0x25: {  	[simem:s6], [sflag:s4] =	dma.local [hbm:s3], $0xF7A  }
0x26: {  	[smem:$0x3F9B] =	sst s1;
	(tag) =	ssettag s2;
	_ =	strace s9  }
0x27: {  	s1 =	sld [smem:$0x3FAB]  }
0x28: {  	s2 =	sld [smem:$0x3FAC]  }
0x29: {  	s4 =	sld [smem:$0x3FAE]  }
0x2a: {  	p0 =	seq.s32 s5, $0x0;
	s5 =	sld [smem:$0x3FAF]  }
0x2b: {  	s6 =	sld [smem:$0x3FB0]  }
0x2c: {  	s7 =	sld [smem:$0x3FB1]  }
0x2d: {  	s3 =	simm.s32 $0x108;
	s8 =	sld [smem:$0x3FB2]  }
0x2e: {  	s3 =	simm.s32 @!p0 $0x1082;
	s9 =	sld [smem:$0x3FB3]  }
0x2f: {  	lr =	sadd.s32 s0, s3;
	s0 =	sld [smem:$0x3FAA]  }
0x30: {  	s3 =	sld [smem:$0x3FAD]  }
0x31: {  	[smem:$0x3FB6] =	sst s10  }
0x32: {  	s10 =	sld [smem:$0x3FB4];
	_ =	sdelay $0x3  }
0x33: {  	p0 =	seq.s32 s10, $0x1;
	s10 =	sld [smem:$0x3FB6];
	_ =	sdelay $0x3  }
0x34: {  	[smem:$0x3FB6] =	sst s10  }
0x35: {  	s10 =	sld [smem:$0x3FB5];
	_ =	sdelay $0x3  }
0x36: {  	p1 =	seq.s32 s10, $0x1;
	s10 =	sld [smem:$0x3FB6];
	_ =	sdelay $0x3  }
0x37: {  	[smem:$0x3FB6] =	sst s10  }
0x38: {  	s10 =	sld [smem:$0x3FB7]  }
0x39: {  	_ = 	snop;
	(pc) =	sbr.ind lr, $3  }
0x3a: {  	_ = 	snop  }
0x3b: {  	_ = 	snop  }
0x3c: {  	p2 =	seq.s32 s10, $0x1;
	s10 =	sld [smem:$0x3FB6]  }
0x3d: {  	_ =	shalt  }
0x3e: {  	_ =	shalt  }
0x3f: {  	_ =	shalt  }
0x40: {  	_ =	shalt  }
0x41: {  	_ =	shalt  }
0x42: {  	_ =	shalt  }
0x43: {  	_ =	shalt  }
0x44: {  	_ =	shalt  }
0x45: {  	_ =	shalt  }
0x46: {  	_ =	shalt  }
0x47: {  	_ =	shalt  }
0x48: {  	_ =	shalt  }
0x49: {  	_ =	shalt  }
0x4a: {  	_ =	shalt  }
0x4b: {  	_ =	shalt  }
0x4c: {  	_ =	shalt  }
0x4d: {  	_ =	shalt  }
0x4e: {  	_ =	shalt  }
0x4f: {  	_ =	shalt  }
0x50: {  	_ =	shalt  }
0x51: {  	_ =	shalt  }
0x52: {  	_ =	shalt  }
0x53: {  	_ =	shalt  }
0x54: {  	_ =	shalt  }
0x55: {  	_ =	shalt  }
0x56: {  	_ =	shalt  }
0x57: {  	_ =	shalt  }
0x58: {  	_ =	shalt  }
0x59: {  	_ =	shalt  }
0x5a: {  	_ =	shalt  }
0x5b: {  	_ =	shalt  }
0x5c: {  	_ =	shalt  }
0x5d: {  	_ =	shalt  }
0x5e: {  	_ =	shalt  }
0x5f: {  	_ =	shalt  }
0x60: {  	_ =	shalt  }
0x61: {  	_ =	shalt  }
0x62: {  	_ =	shalt  }
0x63: {  	_ =	shalt  }
0x64: {  	_ =	shalt  }
0x65: {  	_ =	shalt  }
0x66: {  	_ =	shalt  }
0x67: {  	_ =	shalt  }
0x68: {  	_ =	shalt  }
0x69: {  	_ =	shalt  }
0x6a: {  	_ =	shalt  }
0x6b: {  	_ =	shalt  }
0x6c: {  	_ =	shalt  }
0x6d: {  	_ =	shalt  }
0x6e: {  	_ =	shalt  }
0x6f: {  	_ =	shalt  }
0x70: {  	_ =	shalt  }
0x71: {  	_ =	shalt  }
0x72: {  	_ =	shalt  }
0x73: {  	_ =	shalt  }
0x74: {  	_ =	shalt  }
0x75: {  	_ =	shalt  }
0x76: {  	_ =	shalt  }
0x77: {  	_ =	shalt  }
0x78: {  	_ =	shalt  }
0x79: {  	_ =	shalt  }
0x7a: {  	_ =	shalt  }
0x7b: {  	_ =	shalt  }
0x7c: {  	_ =	shalt  }
0x7d: {  	_ =	shalt  }
0x7e: {  	_ =	shalt  }
0x7f: {  	_ =	shalt  }
0x80: {  	_ =	shalt  }
0x81: {  	_ =	shalt  }
0x82: {  	_ =	shalt  }
0x83: {  	_ =	shalt  }
0x84: {  	_ =	shalt  }
0x85: {  	_ =	shalt  }
0x86: {  	_ =	shalt  }
0x87: {  	_ =	shalt  }
.Lfunc_end0:
.L_simem_size_0:
called_computation.2_lowered:
.L_overlay_start_0:
0x88: {  	s2 =	sld [smem:$0x3FD9]  }
0x89: {  	s3 =	sld [smem:$0x3FFE];
	_ =	sdelay $0x1  }
0x8a: {  	s1 =	srdreg.scid  }
0x8b: {  	s0 =	sand.u32 $0x1, s1  }
0x8c: {  	s17 =	sshll.u32 s0, $0xA;
	s2 =	sadd.s32 s3, s2  }
0x8d: {  	s2 =	sadd.s32 s2, s17  }
0x8e: {  	[smem:$0x3FC2] =	sst s2  }
0x8f: {  	_ = 	snop  }
0x90: {  	s2 =	sld [smem:$0x3FD0];
	(tm) =	ssettm $0x1  }
0x91: {  	s18 =	sld [smem:$0x3FFB];
	_ =	sdelay $0x3  }
0x92: {  	_ =	strace s18  }
0x93: {  	s3 =	sld [smem:$0x3FFC];
	_ =	sdelay $0x3  }
0x94: {  	_ =	strace s3  }
0x95: {  	s3 =	sld [smem:$0x3FFD];
	_ =	sdelay $0x3  }
0x96: {  	_ =	strace s3  }
0x97: {  	_ =	strace $0x8FFFFFFF  }
0x98: {  	s19 =	sld [smem:$0x3FDB];
	_ =	sdelay $0x1  }
0x99: {  	s4 =	simm.s32 $_scs_section_size  }
0x9a: {  	s5 =	simm.s32 $_size__tile_overlayer_lowered;
	s6 =	simm.s32 $_tile_overlayer_lowered  }
0x9b: {  	s22 =	simm.s32 $0x1BFF;
	s21 =	sshll.u32 s6, $0x1;
	s3 =	sadd.s32 s4, s19  }
0x9c: {  	s7 =	simm.s32 $0x0;
	s20 =	sshll.u32 s5, $0x1;
	s5 =	sadd.s32 s21, s3  }
0x9d: {  	[timem:s7], [sflag:s22] =	dma.local [hbm:s5], s20  }
0x9e: {  	_ =	swait.ge [sflag:s22], s20  }
0x9f: {  	s4 =	ssub.s32 $0x0, s20;
	[sflag:s22] =	ssyncset.done $0x0  }
0xa0: {  	[sflag:s22] =	ssyncadd.s32 s4;
	_ =	sdelay $0x1  }
0xa1: {  	s23 =	simm.s32 $0x1B8B  }
0xa2: {  	_ =	swait.ge [sflag:s23], $0x1  }
0xa3: {  	[sflag:s23] =	ssyncset.done $0x0  }
0xa4: {  	s25 =	simm.s32 $0x1B8E;
	s24 =	sld [smem:$0x3FFE];
	[sflag:s23] =	ssyncadd.s32 $0xFFFFFFFF  }
0xa5: {  	s26 =	simm.s32 $execute0_lowered;
	[smem:$0x3FD2] =	sst s25  }
0xa6: {  	s5 =	sshll.u32 s26, $0x1;
	_ =	strace $0x8000004C;
	[dreg:$0x1] =	wrdreg $0xFFFFFFFF  }
0xa7: {  	s28 =	simm.s32 $_size_execute0_lowered;
	s3 =	sadd.s32 s3, s5;
	[dreg:$0x0] =	wrdreg $0x0  }
0xa8: {  	s5 =	sshll.u32 s28, $0x1;
	[dreg:$0x2] =	wrdreg s3  }
0xa9: {  	[dreg:$0x3] =	wrdreg s5  }
0xaa: {  	[dreg:$0x4] =	wrdreg $0xC0  }
0xab: {  	_ =	task [dreg:s7], $0x5FFFF  }
0xac: {  	[dreg:$0x1] =	wrdreg $0xFFFFFFFF  }
0xad: {  	[dreg:$0x0] =	wrdreg $0x60  }
0xae: {  	[dreg:$0x2] =	wrdreg s2  }
0xaf: {  	[dreg:$0x3] =	wrdreg s24  }
0xb0: {  	[dreg:$0x4] =	wrdreg $0x90000  }
0xb1: {  	[dreg:$0x5] =	wrdreg $0x9  }
0xb2: {  	_ =	task.clear_ibuf [dreg:s7], $0x6FFFF;
	_ =	strace $0x9000004C  }
0xb3: {  	s29 =	simm.s32 $0x9;
	_ =	strace $0x8000004E  }
0xb4: {  	_ =	swait.ge [sflag:s29], $0x1  }
0xb5: {  	[sflag:s29] =	ssyncadd.s32 $0xFFFFFFFF  }
0xb6: {  	_ =	strace $0x9000004E  }
0xb7: {  	_ =	sfence  }
0xb8: {  	s30 =	sld [smem:$0x0];
	_ =	sdelay $0x2  }
0xb9: {  	s31 =	sshll.u32 s1, $0xD;
	s1 =	sshrl.u32 s1, $0x2  }
0xba: {  	s3 =	sand.u32 $0x4000, s31;
	s1 =	sadd.s32 s1, s30  }
0xbb: {  	s0 =	sor.u32 s3, s0;
	s1 =	sshll.u32 s1, $0x11  }
0xbc: {  	s0 =	sor.u32 s1, s0  }
0xbd: {  	s0 =	sadd.s32 $0x8F2B, s0  }
0xbe: {  	[sflag:s0] =	ssyncadd.remote.s32 $0x1  }
0xbf: {  	_ =	sfence.sel $0xFFFF  }
0xc0: {  	[dreg:$0x0] =	wrdreg $0xFFFFFFFF;
	(pc) =	sbr.abs _section_cstart, $3  }
0xc1: {  	[dreg:$0x1] =	wrdreg $0xFFFFFFFF  }
0xc2: {  	_ =	task.clear_ibuf [dreg:s7], $0x2FFFF;
	_ =	strace $0x9FFFFFFF  }
0xc3: {  	(tm) =	ssettm $0x7FFFFFFF  }
tec
execute0_lowered:
.L_overlay_start_1:
0x0: {  	(tag) =	ssettag $0x1  }
0x1: {  	s1 =	rddreg [dreg:$0x0]  }
0x2: {  	s2 =	srdreg.scid;
	s7 =	rddreg [dreg:$0x1]  }
0x3: {  	s0 =	stileid.u32;
	s3 =	rddreg [dreg:$0x2]  }
0x4: {  	s4 =	simm.s32 $0x0;
	s13 =	simm.s32 $0x2800;
	s14 =	simm.s32 $0x7D  }
0x5: {  	s15 =	simm.s32 $0x5000;
	s16 =	simm.s32 $0x1;
	s17 =	simm.s32 $0x0  }
0x6: {  	s6 =	sand.u32 $0x1, s2;
	s26 =	sshll.u32 s0, $0x1;
	s8 =	smul.u32 $0x2700, s0  }
0x7: {  	[smem:$0x7FF] =	sst s4;
	s11 =	smul.u32 $0x4E000, s0;
	s31 =	sshll.u32 s0, $0x6  }
0x8: {  	s2 =	sor.u32 s6, s26;
	s9 =	smul.u32 $0x27100, s6;
	s6 =	ssub.s32 $0x2, s6  }
0x9: {  	s5 =	smul.u32 $0x500, s2;
	s2 =	rddreg [dreg:$0x3];
	_ =	strace $0x8000004D  }
0xa: {  	s28 =	sshrl.u32 s6, $0x1;
	s29 =	sshrl.u32 s11, $0x2;
	s8 =	sadd.s32 s8, s9  }
0xb: {  	s30 =	ssub.s32 s6, s28;
	s12 =	sadd.s32 s29, s3;
	s6 =	sor.u32 $0x1C02, s31  }
0xc: {  	s10 =	sadd.s32 s5, s7;
	s5 =	sadd.s32 $0xBE00, s7;
	s9 =	sadd.s32 s8, s7  }
0xd: {  	s11 =	sshrl.u32 s12, $0x3;
	s12 =	simm.s32 $0x2;
	s7 =	sadd.s32 $0x1E00, s10  }
0xe: {  	s8 =	sadd.s32 $0x5C800, s10;
	s9 =	sadd.s32 $0x66800, s9;
	s10 =	smax.u32 s30, $0x1  }
.LBB2_1:
0xf: {  	[spmem:s11], [sflag:s6] =	dma.local [hbm:s5], $0x2800  }
0x10: {  	_ =	swait.ge [sflag:s12], $0x2800  }
0x11: {  	[sflag:s12] =	ssyncset.done $0x0  }
0x12: {  	[sflag:s12] =	ssyncadd.s32 $0xFFFFD800  }
0x13: {  	[tilespmem:s4], [sflag:$0x2] =	stream.linear.gather [hbm4b:s7+s4], $0x2800, $0x38;
	[tilespmem:$0x1C880] =	vst v63  }
0x14: {  	_ =	swait.ge [sflag:s12], $0x2800  }
0x15: {  	[sflag:s12] =	ssyncset.done $0x0  }
0x16: {  	[sflag:s12] =	ssyncadd.s32 $0xFFFFD800  }
0x17: {  	[tilespmem:s13], [sflag:$0x2] =	stream.linear.gather [hbm4b:s8+s4], $0x2800, $0x38;
	[tilespmem:$0x1C880] =	vst v63  }
0x18: {  	_ =	swait.ge [sflag:s12], $0x2800  }
0x19: {  	[sflag:s12] =	ssyncset.done $0x0  }
0x1a: {  	[sflag:s12] =	ssyncadd.s32 $0xFFFFD800  }
0x1b: {  	s18 =	simm.s32 $0x0;
	[bflag:$0x0] =	sbarrier.arrive $0xFFFF  }
0x1c: {  	[tilespmem:s15], [sflag:$0x1] =	stream.indirect.gather [hbm4b:s1+s14], $0x80, s18, s14, $0xb8;
	[tilespmem:$0x1C880] =	vst v63  }
0x1d: {  	_ =	swait.ge [sflag:s16], $0x3E80  }
0x1e: {  	[sflag:s16] =	ssyncset.done $0x0  }
0x1f: {  	s31 =	simm.s32 $0x2800;
	[sflag:s16] =	ssyncadd.s32 $0xFFFFC180  }
0x20: {  	[spmem:s3] =	stream.indirect.scatter.add.f32 [tilespmem:s15], [sflag:$0x2], $0x80, s31, s14, $0xb8;
	[tilespmem:$0x1C880] =	vst v63  }
0x21: {  	_ =	swait.ge [sflag:s12], $0x3E80  }
0x22: {  	s19 =	simm.s32 $0x400;
	s18 =	simm.s32 $0x200;
	[sflag:s12] =	ssyncset.done $0x0  }
.LBB2_2:
0x23: {  	s20 =	sshra.s32 s18, $0x2  }
0x24: {  	[sflag:s12] =	ssyncadd.s32 $0xFFFFC180;
	s18 =	smov.u32 s19;
	s21 =	sadd.s32 $0x200, s19  }
0x25: {  	[tilespmem:s15], [sflag:$0x1] =	stream.indirect.gather [hbm4b:s1+s14], $0x80, s20, s14, $0xb8;
	[tilespmem:$0x1C880] =	vst v63  }
0x26: {  	p0 =	sne.s32 s19, $0x9E00;
	_ =	swait.ge [sflag:s16], $0x3E80  }
.Ltmp0:
0x27: {  	[sflag:s16] =	ssyncset.done $0x0;
	(pc) =	sbr.rel @p0 .LBB2_2-.Ltmp0, $4  }
0x28: {  	s19 =	sadd.s32 $0x2800, s20;
	[sflag:s16] =	ssyncadd.s32 $0xFFFFC180  }
0x29: {  	[spmem:s3] =	stream.indirect.scatter.add.f32 [tilespmem:s15], [sflag:$0x2], $0x80, s19, s14, $0xb8;
	[tilespmem:$0x1C880] =	vst v63  }
0x2a: {  	_ =	swait.ge [sflag:s12], $0x3E80  }
0x2b: {  	s19 =	smov.u32 s21;
	[sflag:s12] =	ssyncset.done $0x0  }
0x2c: {  	s18 =	sshra.s32 s18, $0x2;
	[sflag:s12] =	ssyncadd.s32 $0xFFFFC180  }
0x2d: {  	[tilespmem:s15], [sflag:$0x1] =	stream.indirect.gather [hbm4b:s1+s14], $0x80, s18, s14, $0xb8;
	[tilespmem:$0x1C880] =	vst v63  }
0x2e: {  	_ =	swait.ge [sflag:s16], $0x3E80  }
0x2f: {  	[sflag:s16] =	ssyncset.done $0x0  }
0x30: {  	s18 =	sadd.s32 $0x2800, s18;
	[sflag:s16] =	ssyncadd.s32 $0xFFFFC180  }
0x31: {  	[spmem:s3] =	stream.indirect.scatter.add.f32 [tilespmem:s15], [sflag:$0x2], $0x80, s18, s14, $0xb8;
	[tilespmem:$0x1C880] =	vst v63  }
0x32: {  	_ =	swait.ge [sflag:s12], $0x3E80  }
0x33: {  	s17 =	sadd.s32 $0x1, s17;
	[sflag:s12] =	ssyncset.done $0x0  }
0x34: {  	p0 =	sne.s32 s17, s10;
	[sflag:s12] =	ssyncadd.s32 $0xFFFFC180  }
.Ltmp1:
0x35: {  	[bflag:$0x0] =	sbarrier.arrive $0xFFFF;
	(pc) =	sbr.rel @p0 .LBB2_1-.Ltmp1, $4  }
0x36: {  	[hbm:s9], [sflag:s6] =	dma.local [spmem:s11], $0x2800  }
0x37: {  	_ =	swait.ge [sflag:s12], $0x2800  }
0x38: {  	[sflag:s12] =	ssyncset.done $0x0  }
0x39: {  	[sflag:s12] =	ssyncadd.s32 $0xFFFFD800  }
0x3a: {  	_ =	sfence.sel $0x180000  }
0x3b: {  	[bflag:$0x0] =	sbarrier.arrive $0xFFFF  }
0x3c: {  	p0 =	sne.s32 s0, $0x0;
	_ =	strace $0x9000004D  }
0x3d: {  	s0 =	sadd.s32 @!p0 $0x100000, s2;
	[bflag:$0x2] =	sbarrier.arrive $0xFFFF  }
0x3e: {  	[sflag:s0] =	ssyncadd.tile.s32 @!p0 $0x1;
	_ =	shalt  }
.Lfunc_end2:
_tile_overlayer_lowered:
.L_overlay_start_2:
0x3f: {  	(tag) =	ssettag $0x2  }
0x40: {  	s0 =	rddreg [dreg:$0x0];
	s2 =	stileid.u32  }
0x41: {  	s1 =	rddreg [dreg:$0x1];
	p0 =	sne.s32 s2, $0x0  }
0x42: {  	s3 =	rddreg [dreg:$0x2];
	[bflag:$0x3] =	sbarrier.arrive $0xFFFF;
	s2 =	simm.s32 @!p0 $0x1C02  }
0x43: {  	[timem:s3], [sflag:s2] =	dma.local @!p0 [hbm:s0], s1  }
0x44: {  	s0 =	simm.s32 @!p0 $0x2  }
0x45: {  	_ =	swait.ge @!p0 [sflag:s0], s1  }
0x46: {  	s1 =	ssub.s32 @!p0 $0x0, s1;
	[sflag:s0] =	ssyncset.done @!p0 $0x0  }
0x47: {  	[sflag:s0] =	ssyncadd.s32 @!p0 s1  }
0x48: {  	[bflag:$0x3] =	sbarrier.arrive $0xFFFF  }
0x49: {  	_ =	shalt  }

// kernel: kernel.18.cloned.1.call-start
scs
__scs_entry_jumppad:
0x0: {  	(pc) =	sbr.rel $0x88, $3  }
0x1: {  	(tag) =	ssettag $0x0;
	lr =	simm.s32 $0x1  }
0x2: {  	[smem:$0x3F9B] =	sst lr;
	_ =	strace $0xD0000000  }
0x3: {  	_ = 	snop  }
0x4: {  	_ = 	snop  }
0x5: {  	_ = 	snop  }
0x6: {  	_ = 	snop  }
0x7: {  	_ = 	snop  }
__scs_overlays_trampoline_lowered:
0x8: {  	[smem:$0x3FAA] =	sst s0  }
0x9: {  	[smem:$0x3FAB] =	sst s1  }
0xa: {  	[smem:$0x3FAC] =	sst s2  }
0xb: {  	[smem:$0x3FAD] =	sst s3  }
0xc: {  	[smem:$0x3FAE] =	sst s4  }
0xd: {  	[smem:$0x3FAF] =	sst s5  }
0xe: {  	[smem:$0x3FB0] =	sst s6  }
0xf: {  	[smem:$0x3FB1] =	sst s7  }
0x10: {  	[smem:$0x3FB2] =	sst s8  }
0x11: {  	[smem:$0x3FB3] =	sst s9;
	s0 =	simm.s32 @!p0 $0x0  }
0x12: {  	s1 =	sld [smem:$0x3F99];
	s0 =	simm.s32 @p0 $0x1  }
0x13: {  	[smem:$0x3FB4] =	sst s0;
	s0 =	simm.s32 @!p1 $0x0  }
0x14: {  	s2 =	sld [smem:$0x3F98];
	s0 =	simm.s32 @p1 $0x1  }
0x15: {  	[smem:$0x3FB5] =	sst s0;
	s0 =	simm.s32 @!p2 $0x0  }
0x16: {  	s3 =	sld [smem:$0x3FDB];
	s0 =	simm.s32 @p2 $0x1  }
0x17: {  	s4 =	simm.s32 $0x1BF5;
	[smem:$0x3FB7] =	sst s0  }
0x18: {  	s0 =	sld [smem:$0x3F9A];
	_ =	swait.ge [sflag:s4], $0x0  }
0x19: {  	s7 =	sld [smem:$0x3F9B]  }
0x1a: {  	s8 =	sadd.s32 $0xFFFFE003, lr  }
0x1b: {  	s9 =	sadd.s32 $0xFFFFFEF7, lr;
	s5 =	simm.s32 $0xFFFFFFFF;
	p2 =	slt.u32 s8, $0xFFFFF086  }
0x1c: {  	p1 =	slt.u32 s9, $0xF7A;
	s5 =	simm.s32 @!p2 $0x0  }
0x1d: {  	s5 =	simm.s32 @p1 $0x1;
	p0 =	seq.s32 s7, s2  }
0x1e: {  	s7 =	smul.u32 @!p0 $0xF7A, s2;
	p2 =	seq.s32 @!p0 s5, $0x0  }
0x1f: {  	s9 =	smul.u32 $0xF7A, s1;
	s8 =	simm.s32 @!p0 $0x1BF5;
	p2 =	por !p2, p0  }
0x20: {  	[sflag:s8] =	ssyncset.s32 @!p0 $0xFFFFF086;
	s6 =	sadd.s32 @!p0 s3, s7;
	s7 =	simm.s32 @!p0 $0x108  }
0x21: {  	s3 =	sadd.s32 s3, s9;
	s6 =	sadd.s32 @!p0 $0x88, s6;
	s7 =	simm.s32 @p2 $0x1082  }
0x22: {  	[simem:s7], [sflag:s8] =	dma.local @!p0 [hbm:s6], $0xF7A  }
0x23: {  	s9 =	sor.u32 $0xD0000000, s2;
	s6 =	simm.s32 $0x108;
	_ =	swait.ge @!p0 [sflag:s8], $0x0  }
0x24: {  	s3 =	sadd.s32 $0x88, s3;
	s6 =	simm.s32 @!p1 $0x1082;
	[sflag:s4] =	ssyncset.s32 $0xFFFFF086  }
0x25: {  	[simem:s6], [sflag:s4] =	dma.local [hbm:s3], $0xF7A  }
0x26: {  	[smem:$0x3F9B] =	sst s1;
	(tag) =	ssettag s2;
	_ =	strace s9  }
0x27: {  	s1 =	sld [smem:$0x3FAB]  }
0x28: {  	s2 =	sld [smem:$0x3FAC]  }
0x29: {  	s4 =	sld [smem:$0x3FAE]  }
0x2a: {  	p0 =	seq.s32 s5, $0x0;
	s5 =	sld [smem:$0x3FAF]  }
0x2b: {  	s6 =	sld [smem:$0x3FB0]  }
0x2c: {  	s7 =	sld [smem:$0x3FB1]  }
0x2d: {  	s3 =	simm.s32 $0x108;
	s8 =	sld [smem:$0x3FB2]  }
0x2e: {  	s3 =	simm.s32 @!p0 $0x1082;
	s9 =	sld [smem:$0x3FB3]  }
0x2f: {  	lr =	sadd.s32 s0, s3;
	s0 =	sld [smem:$0x3FAA]  }
0x30: {  	s3 =	sld [smem:$0x3FAD]  }
0x31: {  	[smem:$0x3FB6] =	sst s10  }
0x32: {  	s10 =	sld [smem:$0x3FB4];
	_ =	sdelay $0x3  }
0x33: {  	p0 =	seq.s32 s10, $0x1;
	s10 =	sld [smem:$0x3FB6];
	_ =	sdelay $0x3  }
0x34: {  	[smem:$0x3FB6] =	sst s10  }
0x35: {  	s10 =	sld [smem:$0x3FB5];
	_ =	sdelay $0x3  }
0x36: {  	p1 =	seq.s32 s10, $0x1;
	s10 =	sld [smem:$0x3FB6];
	_ =	sdelay $0x3  }
0x37: {  	[smem:$0x3FB6] =	sst s10  }
0x38: {  	s10 =	sld [smem:$0x3FB7]  }
0x39: {  	_ = 	snop;
	(pc) =	sbr.ind lr, $3  }
0x3a: {  	_ = 	snop  }
0x3b: {  	_ = 	snop  }
0x3c: {  	p2 =	seq.s32 s10, $0x1;
	s10 =	sld [smem:$0x3FB6]  }
0x3d: {  	_ =	shalt  }
0x3e: {  	_ =	shalt  }
0x3f: {  	_ =	shalt  }
0x40: {  	_ =	shalt  }
0x41: {  	_ =	shalt  }
0x42: {  	_ =	shalt  }
0x43: {  	_ =	shalt  }
0x44: {  	_ =	shalt  }
0x45: {  	_ =	shalt  }
0x46: {  	_ =	shalt  }
0x47: {  	_ =	shalt  }
0x48: {  	_ =	shalt  }
0x49: {  	_ =	shalt  }
0x4a: {  	_ =	shalt  }
0x4b: {  	_ =	shalt  }
0x4c: {  	_ =	shalt  }
0x4d: {  	_ =	shalt  }
0x4e: {  	_ =	shalt  }
0x4f: {  	_ =	shalt  }
0x50: {  	_ =	shalt  }
0x51: {  	_ =	shalt  }
0x52: {  	_ =	shalt  }
0x53: {  	_ =	shalt  }
0x54: {  	_ =	shalt  }
0x55: {  	_ =	shalt  }
0x56: {  	_ =	shalt  }
0x57: {  	_ =	shalt  }
0x58: {  	_ =	shalt  }
0x59: {  	_ =	shalt  }
0x5a: {  	_ =	shalt  }
0x5b: {  	_ =	shalt  }
0x5c: {  	_ =	shalt  }
0x5d: {  	_ =	shalt  }
0x5e: {  	_ =	shalt  }
0x5f: {  	_ =	shalt  }
0x60: {  	_ =	shalt  }
0x61: {  	_ =	shalt  }
0x62: {  	_ =	shalt  }
0x63: {  	_ =	shalt  }
0x64: {  	_ =	shalt  }
0x65: {  	_ =	shalt  }
0x66: {  	_ =	shalt  }
0x67: {  	_ =	shalt  }
0x68: {  	_ =	shalt  }
0x69: {  	_ =	shalt  }
0x6a: {  	_ =	shalt  }
0x6b: {  	_ =	shalt  }
0x6c: {  	_ =	shalt  }
0x6d: {  	_ =	shalt  }
0x6e: {  	_ =	shalt  }
0x6f: {  	_ =	shalt  }
0x70: {  	_ =	shalt  }
0x71: {  	_ =	shalt  }
0x72: {  	_ =	shalt  }
0x73: {  	_ =	shalt  }
0x74: {  	_ =	shalt  }
0x75: {  	_ =	shalt  }
0x76: {  	_ =	shalt  }
0x77: {  	_ =	shalt  }
0x78: {  	_ =	shalt  }
0x79: {  	_ =	shalt  }
0x7a: {  	_ =	shalt  }
0x7b: {  	_ =	shalt  }
0x7c: {  	_ =	shalt  }
0x7d: {  	_ =	shalt  }
0x7e: {  	_ =	shalt  }
0x7f: {  	_ =	shalt  }
0x80: {  	_ =	shalt  }
0x81: {  	_ =	shalt  }
0x82: {  	_ =	shalt  }
0x83: {  	_ =	shalt  }
0x84: {  	_ =	shalt  }
0x85: {  	_ =	shalt  }
0x86: {  	_ =	shalt  }
0x87: {  	_ =	shalt  }
.Lfunc_end0:
.L_simem_size_0:
called_computation.3_lowered:
.L_overlay_start_0:
0x88: {  	s2 =	sld [smem:$0x3FD9]  }
0x89: {  	s3 =	sld [smem:$0x3FFE];
	_ =	sdelay $0x1  }
0x8a: {  	s1 =	srdreg.scid  }
0x8b: {  	s0 =	sand.u32 $0x1, s1  }
0x8c: {  	s17 =	sshll.u32 s0, $0xA;
	s2 =	sadd.s32 s3, s2  }
0x8d: {  	s2 =	sadd.s32 s2, s17  }
0x8e: {  	[smem:$0x3FC2] =	sst s2  }
0x8f: {  	_ = 	snop  }
0x90: {  	s2 =	sld [smem:$0x3FD0];
	(tm) =	ssettm $0x1  }
0x91: {  	s18 =	sld [smem:$0x3FFB];
	_ =	sdelay $0x3  }
0x92: {  	_ =	strace s18  }
0x93: {  	s3 =	sld [smem:$0x3FFC];
	_ =	sdelay $0x3  }
0x94: {  	_ =	strace s3  }
0x95: {  	s3 =	sld [smem:$0x3FFD];
	_ =	sdelay $0x3  }
0x96: {  	_ =	strace s3  }
0x97: {  	_ =	strace $0x8FFFFFFF  }
0x98: {  	s19 =	sld [smem:$0x3FDB];
	_ =	sdelay $0x1  }
0x99: {  	s4 =	simm.s32 $_scs_section_size  }
0x9a: {  	s5 =	simm.s32 $_size__tile_overlayer_lowered;
	s6 =	simm.s32 $_tile_overlayer_lowered  }
0x9b: {  	s22 =	simm.s32 $0x1BFF;
	s21 =	sshll.u32 s6, $0x1;
	s3 =	sadd.s32 s4, s19  }
0x9c: {  	s7 =	simm.s32 $0x0;
	s20 =	sshll.u32 s5, $0x1;
	s5 =	sadd.s32 s21, s3  }
0x9d: {  	[timem:s7], [sflag:s22] =	dma.local [hbm:s5], s20  }
0x9e: {  	_ =	swait.ge [sflag:s22], s20  }
0x9f: {  	s4 =	ssub.s32 $0x0, s20;
	[sflag:s22] =	ssyncset.done $0x0  }
0xa0: {  	[sflag:s22] =	ssyncadd.s32 s4;
	_ =	sdelay $0x1  }
0xa1: {  	s23 =	simm.s32 $0x1B8B  }
0xa2: {  	_ =	swait.ge [sflag:s23], $0x1  }
0xa3: {  	[sflag:s23] =	ssyncset.done $0x0  }
0xa4: {  	s25 =	simm.s32 $0x1B8E;
	s24 =	sld [smem:$0x3FFE];
	[sflag:s23] =	ssyncadd.s32 $0xFFFFFFFF  }
0xa5: {  	s26 =	simm.s32 $execute0_lowered;
	[smem:$0x3FD2] =	sst s25  }
0xa6: {  	s5 =	sshll.u32 s26, $0x1;
	_ =	strace $0x8000004F;
	[dreg:$0x1] =	wrdreg $0xFFFFFFFF  }
0xa7: {  	s28 =	simm.s32 $_size_execute0_lowered;
	s3 =	sadd.s32 s3, s5;
	[dreg:$0x0] =	wrdreg $0x0  }
0xa8: {  	s5 =	sshll.u32 s28, $0x1;
	[dreg:$0x2] =	wrdreg s3  }
0xa9: {  	[dreg:$0x3] =	wrdreg s5  }
0xaa: {  	[dreg:$0x4] =	wrdreg $0xC0  }
0xab: {  	_ =	task [dreg:s7], $0x5FFFF  }
0xac: {  	[dreg:$0x1] =	wrdreg $0xFFFFFFFF  }
0xad: {  	[dreg:$0x0] =	wrdreg $0x60  }
0xae: {  	[dreg:$0x2] =	wrdreg s2  }
0xaf: {  	[dreg:$0x3] =	wrdreg s24  }
0xb0: {  	[dreg:$0x4] =	wrdreg $0x90000  }
0xb1: {  	[dreg:$0x5] =	wrdreg $0x9  }
0xb2: {  	_ =	task.clear_ibuf [dreg:s7], $0x6FFFF;
	_ =	strace $0x9000004F  }
0xb3: {  	s29 =	simm.s32 $0x9;
	_ =	strace $0x80000051  }
0xb4: {  	_ =	swait.ge [sflag:s29], $0x1  }
0xb5: {  	[sflag:s29] =	ssyncadd.s32 $0xFFFFFFFF  }
0xb6: {  	_ =	strace $0x90000051  }
0xb7: {  	_ =	sfence  }
0xb8: {  	s30 =	sld [smem:$0x0];
	_ =	sdelay $0x2  }
0xb9: {  	s31 =	sshll.u32 s1, $0xD;
	s1 =	sshrl.u32 s1, $0x2  }
0xba: {  	s3 =	sand.u32 $0x4000, s31;
	s1 =	sadd.s32 s1, s30  }
0xbb: {  	s0 =	sor.u32 s3, s0;
	s1 =	sshll.u32 s1, $0x11  }
0xbc: {  	s0 =	sor.u32 s1, s0  }
0xbd: {  	s0 =	sadd.s32 $0x8F2B, s0  }
0xbe: {  	[sflag:s0] =	ssyncadd.remote.s32 $0x1  }
0xbf: {  	_ =	sfence.sel $0xFFFF  }
0xc0: {  	[dreg:$0x0] =	wrdreg $0xFFFFFFFF;
	(pc) =	sbr.abs _section_cstart, $3  }
0xc1: {  	[dreg:$0x1] =	wrdreg $0xFFFFFFFF  }
0xc2: {  	_ =	task.clear_ibuf [dreg:s7], $0x2FFFF;
	_ =	strace $0x9FFFFFFF  }
0xc3: {  	(tm) =	ssettm $0x7FFFFFFF  }
tec
execute0_lowered:
.L_overlay_start_1:
0x0: {  	(tag) =	ssettag $0x1  }
0x1: {  	s1 =	rddreg [dreg:$0x0]  }
0x2: {  	s2 =	srdreg.scid;
	s7 =	rddreg [dreg:$0x1]  }
0x3: {  	s0 =	stileid.u32;
	s3 =	rddreg [dreg:$0x2]  }
0x4: {  	s4 =	simm.s32 $0x0;
	s13 =	simm.s32 $0x2800;
	s14 =	simm.s32 $0x7D  }
0x5: {  	s15 =	simm.s32 $0x5000;
	s16 =	simm.s32 $0x1;
	s17 =	simm.s32 $0x0  }
0x6: {  	s6 =	sand.u32 $0x1, s2;
	s26 =	sshll.u32 s0, $0x1;
	s8 =	smul.u32 $0x2700, s0  }
0x7: {  	[smem:$0x7FF] =	sst s4;
	s11 =	smul.u32 $0x4E000, s0;
	s31 =	sshll.u32 s0, $0x6  }
0x8: {  	s2 =	sor.u32 s6, s26;
	s9 =	smul.u32 $0x27100, s6;
	s6 =	ssub.s32 $0x2, s6  }
0x9: {  	s5 =	smul.u32 $0x500, s2;
	s2 =	rddreg [dreg:$0x3];
	_ =	strace $0x80000050  }
0xa: {  	s28 =	sshrl.u32 s6, $0x1;
	s29 =	sshrl.u32 s11, $0x2;
	s8 =	sadd.s32 s8, s9  }
0xb: {  	s30 =	ssub.s32 s6, s28;
	s12 =	sadd.s32 s29, s3;
	s6 =	sor.u32 $0x1C02, s31  }
0xc: {  	s10 =	sadd.s32 s5, s7;
	s5 =	sadd.s32 $0xBE00, s7;
	s9 =	sadd.s32 s8, s7  }
0xd: {  	s11 =	sshrl.u32 s12, $0x3;
	s12 =	simm.s32 $0x2;
	s7 =	sadd.s32 $0x1E00, s10  }
0xe: {  	s8 =	sadd.s32 $0x5C800, s10;
	s9 =	sadd.s32 $0xE600, s9;
	s10 =	smax.u32 s30, $0x1  }
.LBB2_1:
0xf: {  	[spmem:s11], [sflag:s6] =	dma.local [hbm:s5], $0x2800  }
0x10: {  	_ =	swait.ge [sflag:s12], $0x2800  }
0x11: {  	[sflag:s12] =	ssyncset.done $0x0  }
0x12: {  	[sflag:s12] =	ssyncadd.s32 $0xFFFFD800  }
0x13: {  	[tilespmem:s4], [sflag:$0x2] =	stream.linear.gather [hbm4b:s7+s4], $0x2800, $0x38;
	[tilespmem:$0x1C880] =	vst v63  }
0x14: {  	_ =	swait.ge [sflag:s12], $0x2800  }
0x15: {  	[sflag:s12] =	ssyncset.done $0x0  }
0x16: {  	[sflag:s12] =	ssyncadd.s32 $0xFFFFD800  }
0x17: {  	[tilespmem:s13], [sflag:$0x2] =	stream.linear.gather [hbm4b:s8+s4], $0x2800, $0x38;
	[tilespmem:$0x1C880] =	vst v63  }
0x18: {  	_ =	swait.ge [sflag:s12], $0x2800  }
0x19: {  	[sflag:s12] =	ssyncset.done $0x0  }
0x1a: {  	[sflag:s12] =	ssyncadd.s32 $0xFFFFD800  }
0x1b: {  	s18 =	simm.s32 $0x0;
	[bflag:$0x0] =	sbarrier.arrive $0xFFFF  }
0x1c: {  	[tilespmem:s15], [sflag:$0x1] =	stream.indirect.gather [hbm4b:s1+s14], $0x80, s18, s14, $0xb8;
	[tilespmem:$0x1C880] =	vst v63  }
0x1d: {  	_ =	swait.ge [sflag:s16], $0x3E80  }
0x1e: {  	[sflag:s16] =	ssyncset.done $0x0  }
0x1f: {  	s31 =	simm.s32 $0x2800;
	[sflag:s16] =	ssyncadd.s32 $0xFFFFC180  }
0x20: {  	[spmem:s3] =	stream.indirect.scatter.add.f32 [tilespmem:s15], [sflag:$0x2], $0x80, s31, s14, $0xb8;
	[tilespmem:$0x1C880] =	vst v63  }
0x21: {  	_ =	swait.ge [sflag:s12], $0x3E80  }
0x22: {  	s19 =	simm.s32 $0x400;
	s18 =	simm.s32 $0x200;
	[sflag:s12] =	ssyncset.done $0x0  }
.LBB2_2:
0x23: {  	s20 =	sshra.s32 s18, $0x2  }
0x24: {  	[sflag:s12] =	ssyncadd.s32 $0xFFFFC180;
	s18 =	smov.u32 s19;
	s21 =	sadd.s32 $0x200, s19  }
0x25: {  	[tilespmem:s15], [sflag:$0x1] =	stream.indirect.gather [hbm4b:s1+s14], $0x80, s20, s14, $0xb8;
	[tilespmem:$0x1C880] =	vst v63  }
0x26: {  	p0 =	sne.s32 s19, $0x9E00;
	_ =	swait.ge [sflag:s16], $0x3E80  }
.Ltmp0:
0x27: {  	[sflag:s16] =	ssyncset.done $0x0;
	(pc) =	sbr.rel @p0 .LBB2_2-.Ltmp0, $4  }
0x28: {  	s19 =	sadd.s32 $0x2800, s20;
	[sflag:s16] =	ssyncadd.s32 $0xFFFFC180  }
0x29: {  	[spmem:s3] =	stream.indirect.scatter.add.f32 [tilespmem:s15], [sflag:$0x2], $0x80, s19, s14, $0xb8;
	[tilespmem:$0x1C880] =	vst v63  }
0x2a: {  	_ =	swait.ge [sflag:s12], $0x3E80  }
0x2b: {  	s19 =	smov.u32 s21;
	[sflag:s12] =	ssyncset.done $0x0  }
0x2c: {  	s18 =	sshra.s32 s18, $0x2;
	[sflag:s12] =	ssyncadd.s32 $0xFFFFC180  }
0x2d: {  	[tilespmem:s15], [sflag:$0x1] =	stream.indirect.gather [hbm4b:s1+s14], $0x80, s18, s14, $0xb8;
	[tilespmem:$0x1C880] =	vst v63  }
0x2e: {  	_ =	swait.ge [sflag:s16], $0x3E80  }
0x2f: {  	[sflag:s16] =	ssyncset.done $0x0  }
0x30: {  	s18 =	sadd.s32 $0x2800, s18;
	[sflag:s16] =	ssyncadd.s32 $0xFFFFC180  }
0x31: {  	[spmem:s3] =	stream.indirect.scatter.add.f32 [tilespmem:s15], [sflag:$0x2], $0x80, s18, s14, $0xb8;
	[tilespmem:$0x1C880] =	vst v63  }
0x32: {  	_ =	swait.ge [sflag:s12], $0x3E80  }
0x33: {  	s17 =	sadd.s32 $0x1, s17;
	[sflag:s12] =	ssyncset.done $0x0  }
0x34: {  	p0 =	sne.s32 s17, s10;
	[sflag:s12] =	ssyncadd.s32 $0xFFFFC180  }
.Ltmp1:
0x35: {  	[bflag:$0x0] =	sbarrier.arrive $0xFFFF;
	(pc) =	sbr.rel @p0 .LBB2_1-.Ltmp1, $4  }
0x36: {  	[hbm:s9], [sflag:s6] =	dma.local [spmem:s11], $0x2800  }
0x37: {  	_ =	swait.ge [sflag:s12], $0x2800  }
0x38: {  	[sflag:s12] =	ssyncset.done $0x0  }
0x39: {  	[sflag:s12] =	ssyncadd.s32 $0xFFFFD800  }
0x3a: {  	_ =	sfence.sel $0x180000  }
0x3b: {  	[bflag:$0x0] =	sbarrier.arrive $0xFFFF  }
0x3c: {  	p0 =	sne.s32 s0, $0x0;
	_ =	strace $0x90000050  }
0x3d: {  	s0 =	sadd.s32 @!p0 $0x100000, s2;
	[bflag:$0x2] =	sbarrier.arrive $0xFFFF  }
0x3e: {  	[sflag:s0] =	ssyncadd.tile.s32 @!p0 $0x1;
	_ =	shalt  }
.Lfunc_end2:
_tile_overlayer_lowered:
.L_overlay_start_2:
0x3f: {  	(tag) =	ssettag $0x2  }
0x40: {  	s0 =	rddreg [dreg:$0x0];
	s2 =	stileid.u32  }
0x41: {  	s1 =	rddreg [dreg:$0x1];
	p0 =	sne.s32 s2, $0x0  }
0x42: {  	s3 =	rddreg [dreg:$0x2];
	[bflag:$0x3] =	sbarrier.arrive $0xFFFF;
	s2 =	simm.s32 @!p0 $0x1C02  }
0x43: {  	[timem:s3], [sflag:s2] =	dma.local @!p0 [hbm:s0], s1  }
0x44: {  	s0 =	simm.s32 @!p0 $0x2  }
0x45: {  	_ =	swait.ge @!p0 [sflag:s0], s1  }
0x46: {  	s1 =	ssub.s32 @!p0 $0x0, s1;
	[sflag:s0] =	ssyncset.done @!p0 $0x0  }
0x47: {  	[sflag:s0] =	ssyncadd.s32 @!p0 s1  }
0x48: {  	[bflag:$0x3] =	sbarrier.arrive $0xFFFF  }
0x49: {  	_ =	shalt  }

// kernel: kernel.9.cloned.1.call-start
scs
__scs_entry_jumppad:
0x0: {  	(pc) =	sbr.rel $0x88, $3  }
0x1: {  	(tag) =	ssettag $0x0;
	lr =	simm.s32 $0x1  }
0x2: {  	[smem:$0x3F9B] =	sst lr;
	_ =	strace $0xD0000000  }
0x3: {  	_ = 	snop  }
0x4: {  	_ = 	snop  }
0x5: {  	_ = 	snop  }
0x6: {  	_ = 	snop  }
0x7: {  	_ = 	snop  }
__scs_overlays_trampoline_lowered:
0x8: {  	[smem:$0x3FAA] =	sst s0  }
0x9: {  	[smem:$0x3FAB] =	sst s1  }
0xa: {  	[smem:$0x3FAC] =	sst s2  }
0xb: {  	[smem:$0x3FAD] =	sst s3  }
0xc: {  	[smem:$0x3FAE] =	sst s4  }
0xd: {  	[smem:$0x3FAF] =	sst s5  }
0xe: {  	[smem:$0x3FB0] =	sst s6  }
0xf: {  	[smem:$0x3FB1] =	sst s7  }
0x10: {  	[smem:$0x3FB2] =	sst s8  }
0x11: {  	[smem:$0x3FB3] =	sst s9;
	s0 =	simm.s32 @!p0 $0x0  }
0x12: {  	s1 =	sld [smem:$0x3F99];
	s0 =	simm.s32 @p0 $0x1  }
0x13: {  	[smem:$0x3FB4] =	sst s0;
	s0 =	simm.s32 @!p1 $0x0  }
0x14: {  	s2 =	sld [smem:$0x3F98];
	s0 =	simm.s32 @p1 $0x1  }
0x15: {  	[smem:$0x3FB5] =	sst s0;
	s0 =	simm.s32 @!p2 $0x0  }
0x16: {  	s3 =	sld [smem:$0x3FDB];
	s0 =	simm.s32 @p2 $0x1  }
0x17: {  	s4 =	simm.s32 $0x1BF5;
	[smem:$0x3FB7] =	sst s0  }
0x18: {  	s0 =	sld [smem:$0x3F9A];
	_ =	swait.ge [sflag:s4], $0x0  }
0x19: {  	s7 =	sld [smem:$0x3F9B]  }
0x1a: {  	s8 =	sadd.s32 $0xFFFFE003, lr  }
0x1b: {  	s9 =	sadd.s32 $0xFFFFFEF7, lr;
	s5 =	simm.s32 $0xFFFFFFFF;
	p2 =	slt.u32 s8, $0xFFFFF086  }
0x1c: {  	p1 =	slt.u32 s9, $0xF7A;
	s5 =	simm.s32 @!p2 $0x0  }
0x1d: {  	s5 =	simm.s32 @p1 $0x1;
	p0 =	seq.s32 s7, s2  }
0x1e: {  	s7 =	smul.u32 @!p0 $0xF7A, s2;
	p2 =	seq.s32 @!p0 s5, $0x0  }
0x1f: {  	s9 =	smul.u32 $0xF7A, s1;
	s8 =	simm.s32 @!p0 $0x1BF5;
	p2 =	por !p2, p0  }
0x20: {  	[sflag:s8] =	ssyncset.s32 @!p0 $0xFFFFF086;
	s6 =	sadd.s32 @!p0 s3, s7;
	s7 =	simm.s32 @!p0 $0x108  }
0x21: {  	s3 =	sadd.s32 s3, s9;
	s6 =	sadd.s32 @!p0 $0x88, s6;
	s7 =	simm.s32 @p2 $0x1082  }
0x22: {  	[simem:s7], [sflag:s8] =	dma.local @!p0 [hbm:s6], $0xF7A  }
0x23: {  	s9 =	sor.u32 $0xD0000000, s2;
	s6 =	simm.s32 $0x108;
	_ =	swait.ge @!p0 [sflag:s8], $0x0  }
0x24: {  	s3 =	sadd.s32 $0x88, s3;
	s6 =	simm.s32 @!p1 $0x1082;
	[sflag:s4] =	ssyncset.s32 $0xFFFFF086  }
0x25: {  	[simem:s6], [sflag:s4] =	dma.local [hbm:s3], $0xF7A  }
0x26: {  	[smem:$0x3F9B] =	sst s1;
	(tag) =	ssettag s2;
	_ =	strace s9  }
0x27: {  	s1 =	sld [smem:$0x3FAB]  }
0x28: {  	s2 =	sld [smem:$0x3FAC]  }
0x29: {  	s4 =	sld [smem:$0x3FAE]  }
0x2a: {  	p0 =	seq.s32 s5, $0x0;
	s5 =	sld [smem:$0x3FAF]  }
0x2b: {  	s6 =	sld [smem:$0x3FB0]  }
0x2c: {  	s7 =	sld [smem:$0x3FB1]  }
0x2d: {  	s3 =	simm.s32 $0x108;
	s8 =	sld [smem:$0x3FB2]  }
0x2e: {  	s3 =	simm.s32 @!p0 $0x1082;
	s9 =	sld [smem:$0x3FB3]  }
0x2f: {  	lr =	sadd.s32 s0, s3;
	s0 =	sld [smem:$0x3FAA]  }
0x30: {  	s3 =	sld [smem:$0x3FAD]  }
0x31: {  	[smem:$0x3FB6] =	sst s10  }
0x32: {  	s10 =	sld [smem:$0x3FB4];
	_ =	sdelay $0x3  }
0x33: {  	p0 =	seq.s32 s10, $0x1;
	s10 =	sld [smem:$0x3FB6];
	_ =	sdelay $0x3  }
0x34: {  	[smem:$0x3FB6] =	sst s10  }
0x35: {  	s10 =	sld [smem:$0x3FB5];
	_ =	sdelay $0x3  }
0x36: {  	p1 =	seq.s32 s10, $0x1;
	s10 =	sld [smem:$0x3FB6];
	_ =	sdelay $0x3  }
0x37: {  	[smem:$0x3FB6] =	sst s10  }
0x38: {  	s10 =	sld [smem:$0x3FB7]  }
0x39: {  	_ = 	snop;
	(pc) =	sbr.ind lr, $3  }
0x3a: {  	_ = 	snop  }
0x3b: {  	_ = 	snop  }
0x3c: {  	p2 =	seq.s32 s10, $0x1;
	s10 =	sld [smem:$0x3FB6]  }
0x3d: {  	_ =	shalt  }
0x3e: {  	_ =	shalt  }
0x3f: {  	_ =	shalt  }
0x40: {  	_ =	shalt  }
0x41: {  	_ =	shalt  }
0x42: {  	_ =	shalt  }
0x43: {  	_ =	shalt  }
0x44: {  	_ =	shalt  }
0x45: {  	_ =	shalt  }
0x46: {  	_ =	shalt  }
0x47: {  	_ =	shalt  }
0x48: {  	_ =	shalt  }
0x49: {  	_ =	shalt  }
0x4a: {  	_ =	shalt  }
0x4b: {  	_ =	shalt  }
0x4c: {  	_ =	shalt  }
0x4d: {  	_ =	shalt  }
0x4e: {  	_ =	shalt  }
0x4f: {  	_ =	shalt  }
0x50: {  	_ =	shalt  }
0x51: {  	_ =	shalt  }
0x52: {  	_ =	shalt  }
0x53: {  	_ =	shalt  }
0x54: {  	_ =	shalt  }
0x55: {  	_ =	shalt  }
0x56: {  	_ =	shalt  }
0x57: {  	_ =	shalt  }
0x58: {  	_ =	shalt  }
0x59: {  	_ =	shalt  }
0x5a: {  	_ =	shalt  }
0x5b: {  	_ =	shalt  }
0x5c: {  	_ =	shalt  }
0x5d: {  	_ =	shalt  }
0x5e: {  	_ =	shalt  }
0x5f: {  	_ =	shalt  }
0x60: {  	_ =	shalt  }
0x61: {  	_ =	shalt  }
0x62: {  	_ =	shalt  }
0x63: {  	_ =	shalt  }
0x64: {  	_ =	shalt  }
0x65: {  	_ =	shalt  }
0x66: {  	_ =	shalt  }
0x67: {  	_ =	shalt  }
0x68: {  	_ =	shalt  }
0x69: {  	_ =	shalt  }
0x6a: {  	_ =	shalt  }
0x6b: {  	_ =	shalt  }
0x6c: {  	_ =	shalt  }
0x6d: {  	_ =	shalt  }
0x6e: {  	_ =	shalt  }
0x6f: {  	_ =	shalt  }
0x70: {  	_ =	shalt  }
0x71: {  	_ =	shalt  }
0x72: {  	_ =	shalt  }
0x73: {  	_ =	shalt  }
0x74: {  	_ =	shalt  }
0x75: {  	_ =	shalt  }
0x76: {  	_ =	shalt  }
0x77: {  	_ =	shalt  }
0x78: {  	_ =	shalt  }
0x79: {  	_ =	shalt  }
0x7a: {  	_ =	shalt  }
0x7b: {  	_ =	shalt  }
0x7c: {  	_ =	shalt  }
0x7d: {  	_ =	shalt  }
0x7e: {  	_ =	shalt  }
0x7f: {  	_ =	shalt  }
0x80: {  	_ =	shalt  }
0x81: {  	_ =	shalt  }
0x82: {  	_ =	shalt  }
0x83: {  	_ =	shalt  }
0x84: {  	_ =	shalt  }
0x85: {  	_ =	shalt  }
0x86: {  	_ =	shalt  }
0x87: {  	_ =	shalt  }
.Lfunc_end0:
.L_simem_size_0:
called_computation_lowered:
.L_overlay_start_0:
0x88: {  	s2 =	sld [smem:$0x3FD9]  }
0x89: {  	s3 =	sld [smem:$0x3FFE];
	_ =	sdelay $0x1  }
0x8a: {  	s1 =	srdreg.scid  }
0x8b: {  	s0 =	sand.u32 $0x1, s1  }
0x8c: {  	s17 =	sshll.u32 s0, $0xA;
	s2 =	sadd.s32 s3, s2  }
0x8d: {  	s2 =	sadd.s32 s2, s17  }
0x8e: {  	[smem:$0x3FC2] =	sst s2  }
0x8f: {  	_ = 	snop  }
0x90: {  	s2 =	sld [smem:$0x3FD0];
	(tm) =	ssettm $0x1  }
0x91: {  	s18 =	sld [smem:$0x3FFB];
	_ =	sdelay $0x3  }
0x92: {  	_ =	strace s18  }
0x93: {  	s3 =	sld [smem:$0x3FFC];
	_ =	sdelay $0x3  }
0x94: {  	_ =	strace s3  }
0x95: {  	s3 =	sld [smem:$0x3FFD];
	_ =	sdelay $0x3  }
0x96: {  	_ =	strace s3  }
0x97: {  	_ =	strace $0x8FFFFFFF  }
0x98: {  	s19 =	sld [smem:$0x3FDB];
	_ =	sdelay $0x1  }
0x99: {  	s4 =	simm.s32 $_scs_section_size  }
0x9a: {  	s5 =	simm.s32 $_size__tile_overlayer_lowered;
	s6 =	simm.s32 $_tile_overlayer_lowered  }
0x9b: {  	s22 =	simm.s32 $0x1BFF;
	s21 =	sshll.u32 s6, $0x1;
	s3 =	sadd.s32 s4, s19  }
0x9c: {  	s7 =	simm.s32 $0x0;
	s20 =	sshll.u32 s5, $0x1;
	s5 =	sadd.s32 s21, s3  }
0x9d: {  	[timem:s7], [sflag:s22] =	dma.local [hbm:s5], s20  }
0x9e: {  	_ =	swait.ge [sflag:s22], s20  }
0x9f: {  	s4 =	ssub.s32 $0x0, s20;
	[sflag:s22] =	ssyncset.done $0x0  }
0xa0: {  	[sflag:s22] =	ssyncadd.s32 s4;
	_ =	sdelay $0x1  }
0xa1: {  	s23 =	simm.s32 $0x1B8B  }
0xa2: {  	_ =	swait.ge [sflag:s23], $0x1  }
0xa3: {  	[sflag:s23] =	ssyncset.done $0x0  }
0xa4: {  	s25 =	simm.s32 $0x1B8E;
	s24 =	sld [smem:$0x3FFE];
	[sflag:s23] =	ssyncadd.s32 $0xFFFFFFFF  }
0xa5: {  	s26 =	simm.s32 $execute0_lowered;
	[smem:$0x3FD2] =	sst s25  }
0xa6: {  	s5 =	sshll.u32 s26, $0x1;
	_ =	strace $0x80000046;
	[dreg:$0x1] =	wrdreg $0xFFFFFFFF  }
0xa7: {  	s28 =	simm.s32 $_size_execute0_lowered;
	s3 =	sadd.s32 s3, s5;
	[dreg:$0x0] =	wrdreg $0x0  }
0xa8: {  	s5 =	sshll.u32 s28, $0x1;
	[dreg:$0x2] =	wrdreg s3  }
0xa9: {  	[dreg:$0x3] =	wrdreg s5  }
0xaa: {  	[dreg:$0x4] =	wrdreg $0xC0  }
0xab: {  	_ =	task [dreg:s7], $0x5FFFF  }
0xac: {  	[dreg:$0x1] =	wrdreg $0xFFFFFFFF  }
0xad: {  	[dreg:$0x0] =	wrdreg $0x60  }
0xae: {  	[dreg:$0x2] =	wrdreg s24  }
0xaf: {  	[dreg:$0x3] =	wrdreg s2  }
0xb0: {  	[dreg:$0x4] =	wrdreg $0x68000  }
0xb1: {  	[dreg:$0x5] =	wrdreg $0x9  }
0xb2: {  	_ =	task.clear_ibuf [dreg:s7], $0x6FFFF;
	_ =	strace $0x90000046  }
0xb3: {  	s29 =	simm.s32 $0x9;
	_ =	strace $0x80000048  }
0xb4: {  	_ =	swait.ge [sflag:s29], $0x1  }
0xb5: {  	[sflag:s29] =	ssyncadd.s32 $0xFFFFFFFF  }
0xb6: {  	_ =	strace $0x90000048  }
0xb7: {  	_ =	sfence  }
0xb8: {  	s30 =	sld [smem:$0x0];
	_ =	sdelay $0x2  }
0xb9: {  	s31 =	sshll.u32 s1, $0xD;
	s1 =	sshrl.u32 s1, $0x2  }
0xba: {  	s3 =	sand.u32 $0x4000, s31;
	s1 =	sadd.s32 s1, s30  }
0xbb: {  	s0 =	sor.u32 s3, s0;
	s1 =	sshll.u32 s1, $0x11  }
0xbc: {  	s0 =	sor.u32 s1, s0  }
0xbd: {  	s0 =	sadd.s32 $0x8F2B, s0  }
0xbe: {  	[sflag:s0] =	ssyncadd.remote.s32 $0x1  }
0xbf: {  	_ =	sfence.sel $0xFFFF  }
0xc0: {  	[dreg:$0x0] =	wrdreg $0xFFFFFFFF;
	(pc) =	sbr.abs _section_cstart, $3  }
0xc1: {  	[dreg:$0x1] =	wrdreg $0xFFFFFFFF  }
0xc2: {  	_ =	task.clear_ibuf [dreg:s7], $0x2FFFF;
	_ =	strace $0x9FFFFFFF  }
0xc3: {  	(tm) =	ssettm $0x7FFFFFFF  }
tec
execute0_lowered:
.L_overlay_start_1:
0x0: {  	(tag) =	ssettag $0x1  }
0x1: {  	s6 =	rddreg [dreg:$0x0]  }
0x2: {  	s1 =	srdreg.scid;
	s2 =	rddreg [dreg:$0x1]  }
0x3: {  	s0 =	stileid.u32;
	s3 =	rddreg [dreg:$0x2]  }
0x4: {  	s4 =	simm.s32 $0x0;
	s13 =	simm.s32 $0x7D;
	s14 =	simm.s32 $0x0  }
0x5: {  	s7 =	sand.u32 $0x1, s1;
	s26 =	sshll.u32 s0, $0x1;
	s8 =	smul.u32 $0x2700, s0  }
0x6: {  	[smem:$0x7FF] =	sst s4;
	s11 =	smul.u32 $0x4E000, s0;
	s31 =	sshll.u32 s0, $0x6  }
0x7: {  	s1 =	sor.u32 s7, s26;
	s9 =	smul.u32 $0x27100, s7;
	s7 =	ssub.s32 $0x2, s7  }
0x8: {  	s5 =	smul.u32 $0x500, s1;
	s1 =	rddreg [dreg:$0x3];
	_ =	strace $0x80000047  }
0x9: {  	s28 =	sshrl.u32 s7, $0x1;
	s29 =	sshrl.u32 s11, $0x2;
	s11 =	simm.s32 $0x1  }
0xa: {  	s8 =	sadd.s32 s8, s9;
	s30 =	ssub.s32 s7, s28;
	s12 =	sadd.s32 s29, s3  }
0xb: {  	s10 =	sadd.s32 s5, s6;
	s5 =	sadd.s32 $0xBE00, s6;
	s8 =	sadd.s32 s8, s6  }
0xc: {  	s6 =	sor.u32 $0x1C01, s31;
	s9 =	smax.u32 s30, $0x1;
	s7 =	sadd.s32 $0x1E00, s10  }
0xd: {  	s8 =	sadd.s32 $0xE600, s8;
	s10 =	sshrl.u32 s12, $0x3;
	s12 =	simm.s32 $0x2800  }
.LBB2_1:
0xe: {  	[spmem:s10], [sflag:s6] =	dma.local [hbm:s5], $0x2800  }
0xf: {  	_ =	swait.ge [sflag:s11], $0x2800  }
0x10: {  	[sflag:s11] =	ssyncset.done $0x0  }
0x11: {  	[sflag:s11] =	ssyncadd.s32 $0xFFFFD800  }
0x12: {  	[tilespmem:s4], [sflag:$0x1] =	stream.linear.gather [hbm4b:s7+s4], $0x2800, $0x38;
	[tilespmem:$0x1A080] =	vst v63  }
0x13: {  	_ =	swait.ge [sflag:s11], $0x2800  }
0x14: {  	[sflag:s11] =	ssyncset.done $0x0  }
0x15: {  	[sflag:s11] =	ssyncadd.s32 $0xFFFFD800  }
0x16: {  	[tilespmem:s12], [sflag:$0x1] =	stream.linear.gather [hbm4b:s2+s4], $0x3E80, $0x38;
	[tilespmem:$0x1A080] =	vst v63  }
0x17: {  	_ =	swait.ge [sflag:s11], $0x3E80  }
0x18: {  	[sflag:s11] =	ssyncset.done $0x0  }
0x19: {  	[sflag:s11] =	ssyncadd.s32 $0xFFFFC180  }
0x1a: {  	s15 =	simm.s32 $0x0;
	[bflag:$0x0] =	sbarrier.arrive $0xFFFF  }
0x1b: {  	[spmem:s3] =	stream.indirect.scatter.add.f32 [tilespmem:s12], [sflag:$0x1], $0x80, s15, s13, $0xb8;
	[tilespmem:$0x1A080] =	vst v63  }
0x1c: {  	_ =	swait.ge [sflag:s11], $0x3E80  }
0x1d: {  	s15 =	simm.s32 $0x200;
	[sflag:s11] =	ssyncset.done $0x0  }
.LBB2_2:
0x1e: {  	s16 =	sshra.s32 s15, $0x2;
	[sflag:s11] =	ssyncadd.s32 $0xFFFFC180;
	p0 =	sne.s32 s15, $0x9E00  }
0x1f: {  	[spmem:s3] =	stream.indirect.scatter.add.f32 [tilespmem:s12], [sflag:$0x1], $0x80, s16, s13, $0xb8;
	[tilespmem:$0x1A080] =	vst v63  }
.Ltmp0:
0x20: {  	_ = 	snop;
	(pc) =	sbr.rel @p0 .LBB2_2-.Ltmp0, $4  }
0x21: {  	_ = 	snop  }
0x22: {  	s15 =	sadd.s32 $0x200, s15  }
0x23: {  	_ =	swait.ge [sflag:s11], $0x3E80  }
0x24: {  	[sflag:s11] =	ssyncset.done $0x0  }
0x25: {  	s14 =	sadd.s32 $0x1, s14  }
0x26: {  	[sflag:s11] =	ssyncadd.s32 $0xFFFFC180;
	p0 =	sne.s32 s14, s9  }
.Ltmp1:
0x27: {  	[bflag:$0x0] =	sbarrier.arrive $0xFFFF;
	(pc) =	sbr.rel @p0 .LBB2_1-.Ltmp1, $4  }
0x28: {  	[hbm:s8], [sflag:s6] =	dma.local [spmem:s10], $0x2800  }
0x29: {  	_ =	swait.ge [sflag:s11], $0x2800  }
0x2a: {  	[sflag:s11] =	ssyncset.done $0x0  }
0x2b: {  	[sflag:s11] =	ssyncadd.s32 $0xFFFFD800  }
0x2c: {  	_ =	sfence.sel $0x180000  }
0x2d: {  	[bflag:$0x0] =	sbarrier.arrive $0xFFFF  }
0x2e: {  	p0 =	sne.s32 s0, $0x0;
	_ =	strace $0x90000047  }
0x2f: {  	s0 =	sadd.s32 @!p0 $0x100000, s1;
	[bflag:$0x2] =	sbarrier.arrive $0xFFFF  }
0x30: {  	[sflag:s0] =	ssyncadd.tile.s32 @!p0 $0x1;
	_ =	shalt  }
.Lfunc_end2:
_tile_overlayer_lowered:
.L_overlay_start_2:
0x31: {  	(tag) =	ssettag $0x2  }
0x32: {  	s0 =	rddreg [dreg:$0x0];
	s2 =	stileid.u32  }
0x33: {  	s1 =	rddreg [dreg:$0x1];
	p0 =	sne.s32 s2, $0x0  }
0x34: {  	s3 =	rddreg [dreg:$0x2];
	[bflag:$0x3] =	sbarrier.arrive $0xFFFF;
	s2 =	simm.s32 @!p0 $0x1C01  }
0x35: {  	[timem:s3], [sflag:s2] =	dma.local @!p0 [hbm:s0], s1  }
0x36: {  	s0 =	simm.s32 @!p0 $0x1  }
0x37: {  	_ =	swait.ge @!p0 [sflag:s0], s1  }
0x38: {  	s1 =	ssub.s32 @!p0 $0x0, s1;
	[sflag:s0] =	ssyncset.done @!p0 $0x0  }
0x39: {  	[sflag:s0] =	ssyncadd.s32 @!p0 s1  }
0x3a: {  	[bflag:$0x3] =	sbarrier.arrive $0xFFFF  }
0x3b: {  	_ =	shalt  }

</sc_bundles>
